<compile_context>
chip_gen: v7x
topology: tpu7x:2x2x1
jax: 0.10.2.dev20260603
libtpu: 0.0.44.dev20260713+nightly
codegen_flags: <defaults>
</compile_context>

<pallas_src>
import functools

import jax
import jax.numpy as jnp
from jax import lax
from jax.experimental import pallas as pl
from jax.experimental.pallas import tpu as pltpu
from jax.experimental.pallas import tpu_sc as plsc


def _sc_geometry():
    try:
        info = plsc.get_sparse_core_info()
        return info.num_cores, info.num_subcores, info.num_lanes
    except Exception:
        return 2, 16, 16


@functools.lru_cache(maxsize=None)
def _build(P, NELEM, TAB, C):
    NC, NS, L = _sc_geometry()
    NW = NC * NS
    n_total = P // C
    slots = -(-n_total // NW)
    n_vec = C // L
    mesh = plsc.VectorSubcoreMesh(core_axis_name="c", subcore_axis_name="s")

    @functools.partial(
        pl.kernel,
        out_type=jax.ShapeDtypeStruct((P,), jnp.float32),
        mesh=mesh,
        scratch_types=[
            pltpu.VMEM((TAB,), jnp.float32),
            pltpu.VMEM((L,), jnp.int32),
            pltpu.VMEM((2, C), jnp.int32),
            pltpu.VMEM((2, C), jnp.int32),
            pltpu.VMEM((C,), jnp.float32),
            pltpu.VMEM((C,), jnp.float32),
            pltpu.VMEM((C,), jnp.float32),
            pltpu.VMEM((C,), jnp.float32),
            pltpu.SemaphoreType.DMA,
            pltpu.SemaphoreType.DMA,
            pltpu.SemaphoreType.DMA,
            pltpu.SemaphoreType.DMA,
        ],
        compiler_params=pltpu.CompilerParams(needs_layout_passes=False),
    )
    def sc_kernel(sp_hbm, d_hbm, tab_hbm, sel_hbm, out_hbm,
                  tab_v, sel_v, sp_a, sp_b, d_a, d_b, o_a, o_b,
                  sem_in0, sem_in1, sem_out0, sem_out1):
        wid = lax.axis_index("s") * NC + lax.axis_index("c")
        sp_v = (sp_a, sp_b)
        d_v = (d_a, d_b)
        out_v = (o_a, o_b)
        sem_in = (sem_in0, sem_in1)
        sem_out = (sem_out0, sem_out1)

        def cid(m):
            return wid + m * NW

        def in_copies(m):
            b = m % 2
            off = pl.multiple_of(cid(m) * C, 128)
            return [
                pltpu.make_async_copy(
                    sp_hbm.at[:, pl.ds(off, C)], sp_v[b], sem_in[b]),
                pltpu.make_async_copy(
                    d_hbm.at[pl.ds(off, C)], d_v[b], sem_in[b]),
            ]

        def out_copy(m):
            b = m % 2
            off = pl.multiple_of(cid(m) * C, 128)
            return pltpu.make_async_copy(
                out_v[b], out_hbm.at[pl.ds(off, C)], sem_out[b])

        def guarded(m, fn):
            if (m + 1) * NW <= n_total:
                fn()
            else:
                pl.when(cid(m) < n_total)(fn)

        def start_in(m):
            def _go():
                for c in in_copies(m):
                    c.start()
            return _go

        guarded(0, start_in(0))
        pltpu.sync_copy(tab_hbm, tab_v)
        pltpu.sync_copy(sel_hbm, sel_v)
        is6 = sel_v[...] > 0

        for m in range(slots):
            b = m % 2
            if m + 1 < slots:
                guarded(m + 1, start_in(m + 1))

            def slot_body(m=m, b=b):
                for c in in_copies(m):
                    c.wait()
                if m >= 2:
                    out_copy(m - 2).wait()

                @plsc.parallel_loop(0, n_vec, unroll=8)
                def vec_body(i):
                    s0 = sp_v[b][0, pl.ds(i * L, L)]
                    s1 = sp_v[b][1, pl.ds(i * L, L)]
                    dd = d_v[b][pl.ds(i * L, L)]
                    idx = s0 * NELEM + s1
                    g = plsc.load_gather(tab_v, [idx])
                    r = 1.0 / (1.0 + dd * g)
                    t = dd * r
                    t2 = t * t
                    t4 = t2 * t2
                    t6 = t4 * t2
                    t8 = t4 * t4
                    r2 = r * r
                    r4 = r2 * r2
                    r8 = r4 * r4
                    ts = jnp.where(is6, t6, t8)
                    out_v[b][pl.ds(i * L, L)] = ts * r8

                out_copy(m).start()

            guarded(m, slot_body)

        for m in range(max(slots - 2, 0), slots):
            def drain(m=m):
                out_copy(m).wait()
            guarded(m, drain)

    return sc_kernel


def kernel(species12, distances, order, cutoff_radii, sr6, sr8):
    P = distances.shape[0]
    NELEM = cutoff_radii.shape[0]
    is6 = order == 6
    s = jnp.where(is6, sr6, sr8)
    itab = (jnp.float32(6.0) / (s * cutoff_radii)).reshape(-1)
    TAB = itab.shape[0]
    sel = jnp.where(is6, jnp.int32(1), jnp.int32(0))
    sel_vec = jnp.full((16,), sel, dtype=jnp.int32)
    sc_kernel = _build(P, NELEM, TAB, 12800)
    return sc_kernel(species12, distances, itab, sel_vec)

# --- scband reference (transcript-rebuilt; emitter-appended) ---
"""Pipeline reference for scband-zero-damp-24077586661879 (READ-ONLY COPY).

The authoritative reference and input builder live on the scoring server;
editing this copy changes nothing except your own understanding.
"""

import jax, jax.numpy as jnp
import numpy as np

P = 1600000
NELEM = 94

def setup_inputs(seed: int = 0) -> dict:
    key = jax.random.key(seed)
    k1, k2, k3 = jax.random.split(key, 3)
    species12 = jax.random.randint(k1, (2, P), 0, NELEM, dtype=jnp.int32)
    distances = jax.random.uniform(k2, (P,), dtype=jnp.float32)
    # learned/buffer parameters: pairwise cutoff radii table and damping scale constants
    cutoff_radii = jax.random.uniform(k3, (NELEM, NELEM), dtype=jnp.float32, minval=1.0, maxval=4.0)
    sr6 = jnp.float32(1.281)
    sr8 = jnp.float32(1.094)
    return {"species12": species12, "distances": distances, "order": 6,
            "cutoff_radii": cutoff_radii, "sr6": sr6, "sr8": sr8}

def reference(species12, distances, order, cutoff_radii, sr6, sr8):
    # gather pairwise cutoff radius from the 2D table (embedding-style lookup)
    cr = cutoff_radii[species12[0], species12[1]]
    is6 = order == 6
    alpha = jnp.where(is6, 14, 16)
    s = jnp.where(is6, sr6, sr8)
    inner_term = distances / (s * cr)
    # use_modified_damp is False -> no beta term
    return jnp.power(distances, order) * jnp.power(1.0 + 6.0 * inner_term, -alpha)

if __name__ == "__main__":
    import jax
    _d = setup_inputs()
    print(jax.jit(kernel)(*tuple(_d.values())))

</pallas_src>

<mosaic_0001>
#map = affine_map<(d0, d1) -> (0, 0)>
#map1 = affine_map<(d0, d1) -> (0)>
module attributes {stable_mosaic.version = 14 : i64} {
  func.func @sc_kernel(%arg0: i32, %arg1: i32, %arg2: memref<2x1600000xi32, #tpu.memory_space<hbm>>, %arg3: memref<1600000xf32, #tpu.memory_space<hbm>>, %arg4: memref<8836xf32, #tpu.memory_space<hbm>>, %arg5: memref<16xi32, #tpu.memory_space<hbm>>, %arg6: memref<1600000xf32, #tpu.memory_space<hbm>>, %arg7: memref<8836xf32, #tpu.memory_space<vmem>>, %arg8: memref<16xi32, #tpu.memory_space<vmem>>, %arg9: memref<2x12800xi32, #tpu.memory_space<vmem>>, %arg10: memref<2x12800xi32, #tpu.memory_space<vmem>>, %arg11: memref<12800xf32, #tpu.memory_space<vmem>>, %arg12: memref<12800xf32, #tpu.memory_space<vmem>>, %arg13: memref<12800xf32, #tpu.memory_space<vmem>>, %arg14: memref<12800xf32, #tpu.memory_space<vmem>>, %arg15: memref<!tpu.dma_semaphore, #tpu.memory_space<semaphore_mem>>, %arg16: memref<!tpu.dma_semaphore, #tpu.memory_space<semaphore_mem>>, %arg17: memref<!tpu.dma_semaphore, #tpu.memory_space<semaphore_mem>>, %arg18: memref<!tpu.dma_semaphore, #tpu.memory_space<semaphore_mem>>) attributes {dimension_semantics = [#tpu.dimension_semantics<core_parallel>, #tpu.dimension_semantics<subcore_parallel>], iteration_bounds = array<i64: 2, 16>, scalar_prefetch = 0 : i64, scratch_operands = 12 : i64, tpu.core_type = #tpu.core_type<sc_vector_subcore>, window_params = [{transform_indices = #map}, {transform_indices = #map1}, {transform_indices = #map1}, {transform_indices = #map1}, {transform_indices = #map1}]} {
    %mul3A = arith.constant 2 : i32
    %mul3A_0 = arith.muli %arg1, %mul3A : i32
    %add3A = arith.addi %mul3A_0, %arg0 : i32
    %add3A_1 = arith.constant 0 : i32
    %add3A_2 = arith.addi %add3A, %add3A_1 : i32
    %mul3A_3 = arith.constant 12800 : i32
    %mul3A_4 = arith.muli %add3A_2, %mul3A_3 : i32
    %multiple_of3A = tpu.assume_multiple %mul3A_4, 128 : i32
    %dma_start3A = arith.constant 0 : i32
    %dma_start3A_5 = tpu.memref_slice %arg2[%dma_start3A, %multiple_of3A] : memref<2x1600000xi32, #tpu.memory_space<hbm>> -> memref<2x12800xi32, #tpu.memory_space<hbm>>
    %dma_start3A_6 = arith.constant 0 : i32
    %dma_start3A_7 = tpu.memref_slice %arg2[%dma_start3A_6, %multiple_of3A] : memref<2x1600000xi32, #tpu.memory_space<hbm>> -> memref<2x12800xi32, #tpu.memory_space<hbm>>
    tpu.enqueue_dma source(%dma_start3A_7 : memref<2x12800xi32, #tpu.memory_space<hbm>>) target(%arg9 : memref<2x12800xi32, #tpu.memory_space<vmem>>) target_semaphore(%arg15 : memref<!tpu.dma_semaphore, #tpu.memory_space<semaphore_mem>>)
    %dma_start3A_8 = tpu.memref_slice %arg3[%multiple_of3A] : memref<1600000xf32, #tpu.memory_space<hbm>> -> memref<12800xf32, #tpu.memory_space<hbm>>
    %dma_start3A_9 = tpu.memref_slice %arg3[%multiple_of3A] : memref<1600000xf32, #tpu.memory_space<hbm>> -> memref<12800xf32, #tpu.memory_space<hbm>>
    tpu.enqueue_dma source(%dma_start3A_9 : memref<12800xf32, #tpu.memory_space<hbm>>) target(%arg11 : memref<12800xf32, #tpu.memory_space<vmem>>) target_semaphore(%arg15 : memref<!tpu.dma_semaphore, #tpu.memory_space<semaphore_mem>>)
    "tpu.region"() ({
      %run_scoped3A = tpu.sem_alloc : memref<!tpu.dma_semaphore, #tpu.memory_space<semaphore_mem>>
      tpu.enqueue_dma source(%arg4 : memref<8836xf32, #tpu.memory_space<hbm>>) target(%arg7 : memref<8836xf32, #tpu.memory_space<vmem>>) target_semaphore(%run_scoped3A : memref<!tpu.dma_semaphore, #tpu.memory_space<semaphore_mem>>)
      tpu.wait_dma2 semaphore(%run_scoped3A : memref<!tpu.dma_semaphore, #tpu.memory_space<semaphore_mem>>) src(%arg4 : memref<8836xf32, #tpu.memory_space<hbm>>) dst(%arg7 : memref<8836xf32, #tpu.memory_space<vmem>>)
      tpu.yield
    }) : () -> ()
    "tpu.region"() ({
      %run_scoped3A = tpu.sem_alloc : memref<!tpu.dma_semaphore, #tpu.memory_space<semaphore_mem>>
      tpu.enqueue_dma source(%arg5 : memref<16xi32, #tpu.memory_space<hbm>>) target(%arg8 : memref<16xi32, #tpu.memory_space<vmem>>) target_semaphore(%run_scoped3A : memref<!tpu.dma_semaphore, #tpu.memory_space<semaphore_mem>>)
      tpu.wait_dma2 semaphore(%run_scoped3A : memref<!tpu.dma_semaphore, #tpu.memory_space<semaphore_mem>>) src(%arg5 : memref<16xi32, #tpu.memory_space<hbm>>) dst(%arg8 : memref<16xi32, #tpu.memory_space<vmem>>)
      tpu.yield
    }) : () -> ()
    %get3A = arith.constant 0 : index
    %get3A_10 = tpu.vector_load %arg8[%get3A] {strides = array<i32>} : memref<16xi32, #tpu.memory_space<vmem>>, vector<16xi32>,
    %gt3A = arith.constant 0 : i32
    %gt3A_11 = vector.broadcast %gt3A : i32 to vector<16xi32>
    %gt3A_12 = arith.cmpi sgt, %get3A_10, %gt3A_11 : vector<16xi32>
    %add3A_13 = arith.constant 32 : i32
    %add3A_14 = arith.addi %add3A, %add3A_13 : i32
    %mul3A_15 = arith.constant 12800 : i32
    %mul3A_16 = arith.muli %add3A_14, %mul3A_15 : i32
    %multiple_of3A_17 = tpu.assume_multiple %mul3A_16, 128 : i32
    %dma_start3A_18 = arith.constant 0 : i32
    %dma_start3A_19 = tpu.memref_slice %arg2[%dma_start3A_18, %multiple_of3A_17] : memref<2x1600000xi32, #tpu.memory_space<hbm>> -> memref<2x12800xi32, #tpu.memory_space<hbm>>
    %dma_start3A_20 = arith.constant 0 : i32
    %dma_start3A_21 = tpu.memref_slice %arg2[%dma_start3A_20, %multiple_of3A_17] : memref<2x1600000xi32, #tpu.memory_space<hbm>> -> memref<2x12800xi32, #tpu.memory_space<hbm>>
    tpu.enqueue_dma source(%dma_start3A_21 : memref<2x12800xi32, #tpu.memory_space<hbm>>) target(%arg10 : memref<2x12800xi32, #tpu.memory_space<vmem>>) target_semaphore(%arg16 : memref<!tpu.dma_semaphore, #tpu.memory_space<semaphore_mem>>)
    %dma_start3A_22 = tpu.memref_slice %arg3[%multiple_of3A_17] : memref<1600000xf32, #tpu.memory_space<hbm>> -> memref<12800xf32, #tpu.memory_space<hbm>>
    %dma_start3A_23 = tpu.memref_slice %arg3[%multiple_of3A_17] : memref<1600000xf32, #tpu.memory_space<hbm>> -> memref<12800xf32, #tpu.memory_space<hbm>>
    tpu.enqueue_dma source(%dma_start3A_23 : memref<12800xf32, #tpu.memory_space<hbm>>) target(%arg12 : memref<12800xf32, #tpu.memory_space<vmem>>) target_semaphore(%arg16 : memref<!tpu.dma_semaphore, #tpu.memory_space<semaphore_mem>>)
    %add3A_24 = arith.constant 0 : i32
    %add3A_25 = arith.addi %add3A, %add3A_24 : i32
    %mul3A_26 = arith.constant 12800 : i32
    %mul3A_27 = arith.muli %add3A_25, %mul3A_26 : i32
    %multiple_of3A_28 = tpu.assume_multiple %mul3A_27, 128 : i32
    %dma_wait3A = arith.constant 0 : i32
    %dma_wait3A_29 = tpu.memref_slice %arg2[%dma_wait3A, %multiple_of3A_28] : memref<2x1600000xi32, #tpu.memory_space<hbm>> -> memref<2x12800xi32, #tpu.memory_space<hbm>>
    %dma_wait3A_30 = arith.constant 0 : i32
    %dma_wait3A_31 = tpu.memref_slice %arg2[%dma_wait3A_30, %multiple_of3A_28] : memref<2x1600000xi32, #tpu.memory_space<hbm>> -> memref<2x12800xi32, #tpu.memory_space<hbm>>
    tpu.wait_dma2 semaphore(%arg15 : memref<!tpu.dma_semaphore, #tpu.memory_space<semaphore_mem>>) src(%dma_wait3A_31 : memref<2x12800xi32, #tpu.memory_space<hbm>>) dst(%arg9 : memref<2x12800xi32, #tpu.memory_space<vmem>>)
    %dma_wait3A_32 = tpu.memref_slice %arg3[%multiple_of3A_28] : memref<1600000xf32, #tpu.memory_space<hbm>> -> memref<12800xf32, #tpu.memory_space<hbm>>
    %dma_wait3A_33 = tpu.memref_slice %arg3[%multiple_of3A_28] : memref<1600000xf32, #tpu.memory_space<hbm>> -> memref<12800xf32, #tpu.memory_space<hbm>>
    tpu.wait_dma2 semaphore(%arg15 : memref<!tpu.dma_semaphore, #tpu.memory_space<semaphore_mem>>) src(%dma_wait3A_33 : memref<12800xf32, #tpu.memory_space<hbm>>) dst(%arg11 : memref<12800xf32, #tpu.memory_space<vmem>>)
    %parallel_loop3A = arith.constant 0 : i32
    %parallel_loop3A_34 = arith.constant 800 : i32
    %parallel_loop3A_35 = arith.constant 1 : i32
    scf.for %parallel_loop3A_128 = %parallel_loop3A to %parallel_loop3A_34 step %parallel_loop3A_35  : i32 {
      %parallel_loop3A_129 = arith.constant 16 : i32
      %parallel_loop3A_130 = arith.muli %parallel_loop3A_128, %parallel_loop3A_129 : i32
      %parallel_loop3A_131 = arith.constant 0 : i32
      %parallel_loop3A_132 = arith.index_cast %parallel_loop3A_131 : i32 to index
      %parallel_loop3A_133 = arith.index_cast %parallel_loop3A_130 : i32 to index
      %parallel_loop3A_134 = tpu.vector_load %arg9[%parallel_loop3A_132, %parallel_loop3A_133] {strides = array<i32>} : memref<2x12800xi32, #tpu.memory_space<vmem>>, vector<16xi32>,
      %parallel_loop3A_135 = arith.constant 16 : i32
      %parallel_loop3A_136 = arith.muli %parallel_loop3A_128, %parallel_loop3A_135 : i32
      %parallel_loop3A_137 = arith.constant 1 : i32
      %parallel_loop3A_138 = arith.index_cast %parallel_loop3A_137 : i32 to index
      %parallel_loop3A_139 = arith.index_cast %parallel_loop3A_136 : i32 to index
      %parallel_loop3A_140 = tpu.vector_load %arg9[%parallel_loop3A_138, %parallel_loop3A_139] {strides = array<i32>} : memref<2x12800xi32, #tpu.memory_space<vmem>>, vector<16xi32>,
      %parallel_loop3A_141 = arith.constant 16 : i32
      %parallel_loop3A_142 = arith.muli %parallel_loop3A_128, %parallel_loop3A_141 : i32
      %parallel_loop3A_143 = arith.index_cast %parallel_loop3A_142 : i32 to index
      %parallel_loop3A_144 = tpu.vector_load %arg11[%parallel_loop3A_143] {strides = array<i32>} : memref<12800xf32, #tpu.memory_space<vmem>>, vector<16xf32>,
      %parallel_loop3A_145 = arith.constant 94 : i32
      %parallel_loop3A_146 = vector.broadcast %parallel_loop3A_145 : i32 to vector<16xi32>
      %parallel_loop3A_147 = arith.muli %parallel_loop3A_134, %parallel_loop3A_146 : vector<16xi32>
      %parallel_loop3A_148 = arith.addi %parallel_loop3A_147, %parallel_loop3A_140 : vector<16xi32>
      %parallel_loop3A_149 = tpu.vector_load_idx %arg7[%parallel_loop3A_148] : memref<8836xf32, #tpu.memory_space<vmem>>[vector<16xi32>], vector<16xf32>,
      %parallel_loop3A_150 = arith.mulf %parallel_loop3A_144, %parallel_loop3A_149 : vector<16xf32>
      %parallel_loop3A_151 = arith.constant 1.000000e+00 : f32
      %parallel_loop3A_152 = vector.broadcast %parallel_loop3A_151 : f32 to vector<16xf32>
      %parallel_loop3A_153 = arith.addf %parallel_loop3A_152, %parallel_loop3A_150 : vector<16xf32>
      %parallel_loop3A_154 = arith.constant 1.000000e+00 : f32
      %parallel_loop3A_155 = vector.broadcast %parallel_loop3A_154 : f32 to vector<16xf32>
      %parallel_loop3A_156 = arith.divf %parallel_loop3A_155, %parallel_loop3A_153 : vector<16xf32>
      %parallel_loop3A_157 = arith.mulf %parallel_loop3A_144, %parallel_loop3A_156 : vector<16xf32>
      %parallel_loop3A_158 = arith.mulf %parallel_loop3A_157, %parallel_loop3A_157 : vector<16xf32>
      %parallel_loop3A_159 = arith.mulf %parallel_loop3A_158, %parallel_loop3A_158 : vector<16xf32>
      %parallel_loop3A_160 = arith.mulf %parallel_loop3A_159, %parallel_loop3A_158 : vector<16xf32>
      %parallel_loop3A_161 = arith.mulf %parallel_loop3A_159, %parallel_loop3A_159 : vector<16xf32>
      %parallel_loop3A_162 = arith.mulf %parallel_loop3A_156, %parallel_loop3A_156 : vector<16xf32>
      %parallel_loop3A_163 = arith.mulf %parallel_loop3A_162, %parallel_loop3A_162 : vector<16xf32>
      %parallel_loop3A_164 = arith.mulf %parallel_loop3A_163, %parallel_loop3A_163 : vector<16xf32>
      %parallel_loop3A_165 = arith.select %gt3A_12, %parallel_loop3A_160, %parallel_loop3A_161 : vector<16xi1>, vector<16xf32>
      %parallel_loop3A_166 = arith.mulf %parallel_loop3A_165, %parallel_loop3A_164 : vector<16xf32>
      %parallel_loop3A_167 = arith.constant 16 : i32
      %parallel_loop3A_168 = arith.muli %parallel_loop3A_128, %parallel_loop3A_167 : i32
      %parallel_loop3A_169 = arith.index_cast %parallel_loop3A_168 : i32 to index
      %parallel_loop3A_170 = tpu.vector_load %arg13[%parallel_loop3A_169] {strides = array<i32>} : memref<12800xf32, #tpu.memory_space<vmem>>, vector<16xf32>,
      tpu.vector_store %arg13[%parallel_loop3A_169], %parallel_loop3A_166 {strides = array<i32>} : memref<12800xf32, #tpu.memory_space<vmem>>, vector<16xf32>,
    } {sc.loop_unroll_factor = 8 : i64, sc.parallel_access}
    %add3A_36 = arith.constant 0 : i32
    %add3A_37 = arith.addi %add3A, %add3A_36 : i32
    %mul3A_38 = arith.constant 12800 : i32
    %mul3A_39 = arith.muli %add3A_37, %mul3A_38 : i32
    %multiple_of3A_40 = tpu.assume_multiple %mul3A_39, 128 : i32
    %dma_start3A_41 = tpu.memref_slice %arg6[%multiple_of3A_40] : memref<1600000xf32, #tpu.memory_space<hbm>> -> memref<12800xf32, #tpu.memory_space<hbm>>
    %dma_start3A_42 = tpu.memref_slice %arg6[%multiple_of3A_40] : memref<1600000xf32, #tpu.memory_space<hbm>> -> memref<12800xf32, #tpu.memory_space<hbm>>
    tpu.enqueue_dma source(%arg13 : memref<12800xf32, #tpu.memory_space<vmem>>) target(%dma_start3A_42 : memref<12800xf32, #tpu.memory_space<hbm>>) target_semaphore(%arg17 : memref<!tpu.dma_semaphore, #tpu.memory_space<semaphore_mem>>)
    %add3A_43 = arith.constant 64 : i32
    %add3A_44 = arith.addi %add3A, %add3A_43 : i32
    %mul3A_45 = arith.constant 12800 : i32
    %mul3A_46 = arith.muli %add3A_44, %mul3A_45 : i32
    %multiple_of3A_47 = tpu.assume_multiple %mul3A_46, 128 : i32
    %dma_start3A_48 = arith.constant 0 : i32
    %dma_start3A_49 = tpu.memref_slice %arg2[%dma_start3A_48, %multiple_of3A_47] : memref<2x1600000xi32, #tpu.memory_space<hbm>> -> memref<2x12800xi32, #tpu.memory_space<hbm>>
    %dma_start3A_50 = arith.constant 0 : i32
    %dma_start3A_51 = tpu.memref_slice %arg2[%dma_start3A_50, %multiple_of3A_47] : memref<2x1600000xi32, #tpu.memory_space<hbm>> -> memref<2x12800xi32, #tpu.memory_space<hbm>>
    tpu.enqueue_dma source(%dma_start3A_51 : memref<2x12800xi32, #tpu.memory_space<hbm>>) target(%arg9 : memref<2x12800xi32, #tpu.memory_space<vmem>>) target_semaphore(%arg15 : memref<!tpu.dma_semaphore, #tpu.memory_space<semaphore_mem>>)
    %dma_start3A_52 = tpu.memref_slice %arg3[%multiple_of3A_47] : memref<1600000xf32, #tpu.memory_space<hbm>> -> memref<12800xf32, #tpu.memory_space<hbm>>
    %dma_start3A_53 = tpu.memref_slice %arg3[%multiple_of3A_47] : memref<1600000xf32, #tpu.memory_space<hbm>> -> memref<12800xf32, #tpu.memory_space<hbm>>
    tpu.enqueue_dma source(%dma_start3A_53 : memref<12800xf32, #tpu.memory_space<hbm>>) target(%arg11 : memref<12800xf32, #tpu.memory_space<vmem>>) target_semaphore(%arg15 : memref<!tpu.dma_semaphore, #tpu.memory_space<semaphore_mem>>)
    %add3A_54 = arith.constant 32 : i32
    %add3A_55 = arith.addi %add3A, %add3A_54 : i32
    %mul3A_56 = arith.constant 12800 : i32
    %mul3A_57 = arith.muli %add3A_55, %mul3A_56 : i32
    %multiple_of3A_58 = tpu.assume_multiple %mul3A_57, 128 : i32
    %dma_wait3A_59 = arith.constant 0 : i32
    %dma_wait3A_60 = tpu.memref_slice %arg2[%dma_wait3A_59, %multiple_of3A_58] : memref<2x1600000xi32, #tpu.memory_space<hbm>> -> memref<2x12800xi32, #tpu.memory_space<hbm>>
    %dma_wait3A_61 = arith.constant 0 : i32
    %dma_wait3A_62 = tpu.memref_slice %arg2[%dma_wait3A_61, %multiple_of3A_58] : memref<2x1600000xi32, #tpu.memory_space<hbm>> -> memref<2x12800xi32, #tpu.memory_space<hbm>>
    tpu.wait_dma2 semaphore(%arg16 : memref<!tpu.dma_semaphore, #tpu.memory_space<semaphore_mem>>) src(%dma_wait3A_62 : memref<2x12800xi32, #tpu.memory_space<hbm>>) dst(%arg10 : memref<2x12800xi32, #tpu.memory_space<vmem>>)
    %dma_wait3A_63 = tpu.memref_slice %arg3[%multiple_of3A_58] : memref<1600000xf32, #tpu.memory_space<hbm>> -> memref<12800xf32, #tpu.memory_space<hbm>>
    %dma_wait3A_64 = tpu.memref_slice %arg3[%multiple_of3A_58] : memref<1600000xf32, #tpu.memory_space<hbm>> -> memref<12800xf32, #tpu.memory_space<hbm>>
    tpu.wait_dma2 semaphore(%arg16 : memref<!tpu.dma_semaphore, #tpu.memory_space<semaphore_mem>>) src(%dma_wait3A_64 : memref<12800xf32, #tpu.memory_space<hbm>>) dst(%arg12 : memref<12800xf32, #tpu.memory_space<vmem>>)
    %parallel_loop3A_65 = arith.constant 0 : i32
    %parallel_loop3A_66 = arith.constant 800 : i32
    %parallel_loop3A_67 = arith.constant 1 : i32
    scf.for %parallel_loop3A_128 = %parallel_loop3A_65 to %parallel_loop3A_66 step %parallel_loop3A_67  : i32 {
      %parallel_loop3A_129 = arith.constant 16 : i32
      %parallel_loop3A_130 = arith.muli %parallel_loop3A_128, %parallel_loop3A_129 : i32
      %parallel_loop3A_131 = arith.constant 0 : i32
      %parallel_loop3A_132 = arith.index_cast %parallel_loop3A_131 : i32 to index
      %parallel_loop3A_133 = arith.index_cast %parallel_loop3A_130 : i32 to index
      %parallel_loop3A_134 = tpu.vector_load %arg10[%parallel_loop3A_132, %parallel_loop3A_133] {strides = array<i32>} : memref<2x12800xi32, #tpu.memory_space<vmem>>, vector<16xi32>,
      %parallel_loop3A_135 = arith.constant 16 : i32
      %parallel_loop3A_136 = arith.muli %parallel_loop3A_128, %parallel_loop3A_135 : i32
      %parallel_loop3A_137 = arith.constant 1 : i32
      %parallel_loop3A_138 = arith.index_cast %parallel_loop3A_137 : i32 to index
      %parallel_loop3A_139 = arith.index_cast %parallel_loop3A_136 : i32 to index
      %parallel_loop3A_140 = tpu.vector_load %arg10[%parallel_loop3A_138, %parallel_loop3A_139] {strides = array<i32>} : memref<2x12800xi32, #tpu.memory_space<vmem>>, vector<16xi32>,
      %parallel_loop3A_141 = arith.constant 16 : i32
      %parallel_loop3A_142 = arith.muli %parallel_loop3A_128, %parallel_loop3A_141 : i32
      %parallel_loop3A_143 = arith.index_cast %parallel_loop3A_142 : i32 to index
      %parallel_loop3A_144 = tpu.vector_load %arg12[%parallel_loop3A_143] {strides = array<i32>} : memref<12800xf32, #tpu.memory_space<vmem>>, vector<16xf32>,
      %parallel_loop3A_145 = arith.constant 94 : i32
      %parallel_loop3A_146 = vector.broadcast %parallel_loop3A_145 : i32 to vector<16xi32>
      %parallel_loop3A_147 = arith.muli %parallel_loop3A_134, %parallel_loop3A_146 : vector<16xi32>
      %parallel_loop3A_148 = arith.addi %parallel_loop3A_147, %parallel_loop3A_140 : vector<16xi32>
      %parallel_loop3A_149 = tpu.vector_load_idx %arg7[%parallel_loop3A_148] : memref<8836xf32, #tpu.memory_space<vmem>>[vector<16xi32>], vector<16xf32>,
      %parallel_loop3A_150 = arith.mulf %parallel_loop3A_144, %parallel_loop3A_149 : vector<16xf32>
      %parallel_loop3A_151 = arith.constant 1.000000e+00 : f32
      %parallel_loop3A_152 = vector.broadcast %parallel_loop3A_151 : f32 to vector<16xf32>
      %parallel_loop3A_153 = arith.addf %parallel_loop3A_152, %parallel_loop3A_150 : vector<16xf32>
      %parallel_loop3A_154 = arith.constant 1.000000e+00 : f32
      %parallel_loop3A_155 = vector.broadcast %parallel_loop3A_154 : f32 to vector<16xf32>
      %parallel_loop3A_156 = arith.divf %parallel_loop3A_155, %parallel_loop3A_153 : vector<16xf32>
      %parallel_loop3A_157 = arith.mulf %parallel_loop3A_144, %parallel_loop3A_156 : vector<16xf32>
      %parallel_loop3A_158 = arith.mulf %parallel_loop3A_157, %parallel_loop3A_157 : vector<16xf32>
      %parallel_loop3A_159 = arith.mulf %parallel_loop3A_158, %parallel_loop3A_158 : vector<16xf32>
      %parallel_loop3A_160 = arith.mulf %parallel_loop3A_159, %parallel_loop3A_158 : vector<16xf32>
      %parallel_loop3A_161 = arith.mulf %parallel_loop3A_159, %parallel_loop3A_159 : vector<16xf32>
      %parallel_loop3A_162 = arith.mulf %parallel_loop3A_156, %parallel_loop3A_156 : vector<16xf32>
      %parallel_loop3A_163 = arith.mulf %parallel_loop3A_162, %parallel_loop3A_162 : vector<16xf32>
      %parallel_loop3A_164 = arith.mulf %parallel_loop3A_163, %parallel_loop3A_163 : vector<16xf32>
      %parallel_loop3A_165 = arith.select %gt3A_12, %parallel_loop3A_160, %parallel_loop3A_161 : vector<16xi1>, vector<16xf32>
      %parallel_loop3A_166 = arith.mulf %parallel_loop3A_165, %parallel_loop3A_164 : vector<16xf32>
      %parallel_loop3A_167 = arith.constant 16 : i32
      %parallel_loop3A_168 = arith.muli %parallel_loop3A_128, %parallel_loop3A_167 : i32
      %parallel_loop3A_169 = arith.index_cast %parallel_loop3A_168 : i32 to index
      %parallel_loop3A_170 = tpu.vector_load %arg14[%parallel_loop3A_169] {strides = array<i32>} : memref<12800xf32, #tpu.memory_space<vmem>>, vector<16xf32>,
      tpu.vector_store %arg14[%parallel_loop3A_169], %parallel_loop3A_166 {strides = array<i32>} : memref<12800xf32, #tpu.memory_space<vmem>>, vector<16xf32>,
    } {sc.loop_unroll_factor = 8 : i64, sc.parallel_access}
    %add3A_68 = arith.constant 32 : i32
    %add3A_69 = arith.addi %add3A, %add3A_68 : i32
    %mul3A_70 = arith.constant 12800 : i32
    %mul3A_71 = arith.muli %add3A_69, %mul3A_70 : i32
    %multiple_of3A_72 = tpu.assume_multiple %mul3A_71, 128 : i32
    %dma_start3A_73 = tpu.memref_slice %arg6[%multiple_of3A_72] : memref<1600000xf32, #tpu.memory_space<hbm>> -> memref<12800xf32, #tpu.memory_space<hbm>>
    %dma_start3A_74 = tpu.memref_slice %arg6[%multiple_of3A_72] : memref<1600000xf32, #tpu.memory_space<hbm>> -> memref<12800xf32, #tpu.memory_space<hbm>>
    tpu.enqueue_dma source(%arg14 : memref<12800xf32, #tpu.memory_space<vmem>>) target(%dma_start3A_74 : memref<12800xf32, #tpu.memory_space<hbm>>) target_semaphore(%arg18 : memref<!tpu.dma_semaphore, #tpu.memory_space<semaphore_mem>>)
    %add3A_75 = arith.constant 96 : i32
    %add3A_76 = arith.addi %add3A, %add3A_75 : i32
    %lt3A = arith.constant 125 : i32
    %lt3A_77 = arith.cmpi slt, %add3A_76, %lt3A : i32
    %convert_element_type3A = arith.extui %lt3A_77 : i1 to i32
    %cond3A = arith.constant 0 : i32
    %cond3A_78 = arith.cmpi ne, %convert_element_type3A, %cond3A : i32
    scf.if %cond3A_78 {
      %add3A_128 = arith.constant 96 : i32
      %add3A_129 = arith.addi %add3A, %add3A_128 : i32
      %mul3A_130 = arith.constant 12800 : i32
      %mul3A_131 = arith.muli %add3A_129, %mul3A_130 : i32
      %multiple_of3A_132 = tpu.assume_multiple %mul3A_131, 128 : i32
      %dma_start3A_133 = arith.constant 0 : i32
      %dma_start3A_134 = tpu.memref_slice %arg2[%dma_start3A_133, %multiple_of3A_132] : memref<2x1600000xi32, #tpu.memory_space<hbm>> -> memref<2x12800xi32, #tpu.memory_space<hbm>>
      %dma_start3A_135 = arith.constant 0 : i32
      %dma_start3A_136 = tpu.memref_slice %arg2[%dma_start3A_135, %multiple_of3A_132] : memref<2x1600000xi32, #tpu.memory_space<hbm>> -> memref<2x12800xi32, #tpu.memory_space<hbm>>
      tpu.enqueue_dma source(%dma_start3A_136 : memref<2x12800xi32, #tpu.memory_space<hbm>>) target(%arg10 : memref<2x12800xi32, #tpu.memory_space<vmem>>) target_semaphore(%arg16 : memref<!tpu.dma_semaphore, #tpu.memory_space<semaphore_mem>>)
      %dma_start3A_137 = tpu.memref_slice %arg3[%multiple_of3A_132] : memref<1600000xf32, #tpu.memory_space<hbm>> -> memref<12800xf32, #tpu.memory_space<hbm>>
      %dma_start3A_138 = tpu.memref_slice %arg3[%multiple_of3A_132] : memref<1600000xf32, #tpu.memory_space<hbm>> -> memref<12800xf32, #tpu.memory_space<hbm>>
      tpu.enqueue_dma source(%dma_start3A_138 : memref<12800xf32, #tpu.memory_space<hbm>>) target(%arg12 : memref<12800xf32, #tpu.memory_space<vmem>>) target_semaphore(%arg16 : memref<!tpu.dma_semaphore, #tpu.memory_space<semaphore_mem>>)
    } else {
    }
    %add3A_79 = arith.constant 64 : i32
    %add3A_80 = arith.addi %add3A, %add3A_79 : i32
    %mul3A_81 = arith.constant 12800 : i32
    %mul3A_82 = arith.muli %add3A_80, %mul3A_81 : i32
    %multiple_of3A_83 = tpu.assume_multiple %mul3A_82, 128 : i32
    %dma_wait3A_84 = arith.constant 0 : i32
    %dma_wait3A_85 = tpu.memref_slice %arg2[%dma_wait3A_84, %multiple_of3A_83] : memref<2x1600000xi32, #tpu.memory_space<hbm>> -> memref<2x12800xi32, #tpu.memory_space<hbm>>
    %dma_wait3A_86 = arith.constant 0 : i32
    %dma_wait3A_87 = tpu.memref_slice %arg2[%dma_wait3A_86, %multiple_of3A_83] : memref<2x1600000xi32, #tpu.memory_space<hbm>> -> memref<2x12800xi32, #tpu.memory_space<hbm>>
    tpu.wait_dma2 semaphore(%arg15 : memref<!tpu.dma_semaphore, #tpu.memory_space<semaphore_mem>>) src(%dma_wait3A_87 : memref<2x12800xi32, #tpu.memory_space<hbm>>) dst(%arg9 : memref<2x12800xi32, #tpu.memory_space<vmem>>)
    %dma_wait3A_88 = tpu.memref_slice %arg3[%multiple_of3A_83] : memref<1600000xf32, #tpu.memory_space<hbm>> -> memref<12800xf32, #tpu.memory_space<hbm>>
    %dma_wait3A_89 = tpu.memref_slice %arg3[%multiple_of3A_83] : memref<1600000xf32, #tpu.memory_space<hbm>> -> memref<12800xf32, #tpu.memory_space<hbm>>
    tpu.wait_dma2 semaphore(%arg15 : memref<!tpu.dma_semaphore, #tpu.memory_space<semaphore_mem>>) src(%dma_wait3A_89 : memref<12800xf32, #tpu.memory_space<hbm>>) dst(%arg11 : memref<12800xf32, #tpu.memory_space<vmem>>)
    %add3A_90 = arith.constant 0 : i32
    %add3A_91 = arith.addi %add3A, %add3A_90 : i32
    %mul3A_92 = arith.constant 12800 : i32
    %mul3A_93 = arith.muli %add3A_91, %mul3A_92 : i32
    %multiple_of3A_94 = tpu.assume_multiple %mul3A_93, 128 : i32
    %dma_wait3A_95 = tpu.memref_slice %arg6[%multiple_of3A_94] : memref<1600000xf32, #tpu.memory_space<hbm>> -> memref<12800xf32, #tpu.memory_space<hbm>>
    %dma_wait3A_96 = tpu.memref_slice %arg6[%multiple_of3A_94] : memref<1600000xf32, #tpu.memory_space<hbm>> -> memref<12800xf32, #tpu.memory_space<hbm>>
    tpu.wait_dma2 semaphore(%arg17 : memref<!tpu.dma_semaphore, #tpu.memory_space<semaphore_mem>>) src(%arg13 : memref<12800xf32, #tpu.memory_space<vmem>>) dst(%dma_wait3A_96 : memref<12800xf32, #tpu.memory_space<hbm>>)
    %parallel_loop3A_97 = arith.constant 0 : i32
    %parallel_loop3A_98 = arith.constant 800 : i32
    %parallel_loop3A_99 = arith.constant 1 : i32
    scf.for %parallel_loop3A_128 = %parallel_loop3A_97 to %parallel_loop3A_98 step %parallel_loop3A_99  : i32 {
      %parallel_loop3A_129 = arith.constant 16 : i32
      %parallel_loop3A_130 = arith.muli %parallel_loop3A_128, %parallel_loop3A_129 : i32
      %parallel_loop3A_131 = arith.constant 0 : i32
      %parallel_loop3A_132 = arith.index_cast %parallel_loop3A_131 : i32 to index
      %parallel_loop3A_133 = arith.index_cast %parallel_loop3A_130 : i32 to index
      %parallel_loop3A_134 = tpu.vector_load %arg9[%parallel_loop3A_132, %parallel_loop3A_133] {strides = array<i32>} : memref<2x12800xi32, #tpu.memory_space<vmem>>, vector<16xi32>,
      %parallel_loop3A_135 = arith.constant 16 : i32
      %parallel_loop3A_136 = arith.muli %parallel_loop3A_128, %parallel_loop3A_135 : i32
      %parallel_loop3A_137 = arith.constant 1 : i32
      %parallel_loop3A_138 = arith.index_cast %parallel_loop3A_137 : i32 to index
      %parallel_loop3A_139 = arith.index_cast %parallel_loop3A_136 : i32 to index
      %parallel_loop3A_140 = tpu.vector_load %arg9[%parallel_loop3A_138, %parallel_loop3A_139] {strides = array<i32>} : memref<2x12800xi32, #tpu.memory_space<vmem>>, vector<16xi32>,
      %parallel_loop3A_141 = arith.constant 16 : i32
      %parallel_loop3A_142 = arith.muli %parallel_loop3A_128, %parallel_loop3A_141 : i32
      %parallel_loop3A_143 = arith.index_cast %parallel_loop3A_142 : i32 to index
      %parallel_loop3A_144 = tpu.vector_load %arg11[%parallel_loop3A_143] {strides = array<i32>} : memref<12800xf32, #tpu.memory_space<vmem>>, vector<16xf32>,
      %parallel_loop3A_145 = arith.constant 94 : i32
      %parallel_loop3A_146 = vector.broadcast %parallel_loop3A_145 : i32 to vector<16xi32>
      %parallel_loop3A_147 = arith.muli %parallel_loop3A_134, %parallel_loop3A_146 : vector<16xi32>
      %parallel_loop3A_148 = arith.addi %parallel_loop3A_147, %parallel_loop3A_140 : vector<16xi32>
      %parallel_loop3A_149 = tpu.vector_load_idx %arg7[%parallel_loop3A_148] : memref<8836xf32, #tpu.memory_space<vmem>>[vector<16xi32>], vector<16xf32>,
      %parallel_loop3A_150 = arith.mulf %parallel_loop3A_144, %parallel_loop3A_149 : vector<16xf32>
      %parallel_loop3A_151 = arith.constant 1.000000e+00 : f32
      %parallel_loop3A_152 = vector.broadcast %parallel_loop3A_151 : f32 to vector<16xf32>
      %parallel_loop3A_153 = arith.addf %parallel_loop3A_152, %parallel_loop3A_150 : vector<16xf32>
      %parallel_loop3A_154 = arith.constant 1.000000e+00 : f32
      %parallel_loop3A_155 = vector.broadcast %parallel_loop3A_154 : f32 to vector<16xf32>
      %parallel_loop3A_156 = arith.divf %parallel_loop3A_155, %parallel_loop3A_153 : vector<16xf32>
      %parallel_loop3A_157 = arith.mulf %parallel_loop3A_144, %parallel_loop3A_156 : vector<16xf32>
      %parallel_loop3A_158 = arith.mulf %parallel_loop3A_157, %parallel_loop3A_157 : vector<16xf32>
      %parallel_loop3A_159 = arith.mulf %parallel_loop3A_158, %parallel_loop3A_158 : vector<16xf32>
      %parallel_loop3A_160 = arith.mulf %parallel_loop3A_159, %parallel_loop3A_158 : vector<16xf32>
      %parallel_loop3A_161 = arith.mulf %parallel_loop3A_159, %parallel_loop3A_159 : vector<16xf32>
      %parallel_loop3A_162 = arith.mulf %parallel_loop3A_156, %parallel_loop3A_156 : vector<16xf32>
      %parallel_loop3A_163 = arith.mulf %parallel_loop3A_162, %parallel_loop3A_162 : vector<16xf32>
      %parallel_loop3A_164 = arith.mulf %parallel_loop3A_163, %parallel_loop3A_163 : vector<16xf32>
      %parallel_loop3A_165 = arith.select %gt3A_12, %parallel_loop3A_160, %parallel_loop3A_161 : vector<16xi1>, vector<16xf32>
      %parallel_loop3A_166 = arith.mulf %parallel_loop3A_165, %parallel_loop3A_164 : vector<16xf32>
      %parallel_loop3A_167 = arith.constant 16 : i32
      %parallel_loop3A_168 = arith.muli %parallel_loop3A_128, %parallel_loop3A_167 : i32
      %parallel_loop3A_169 = arith.index_cast %parallel_loop3A_168 : i32 to index
      %parallel_loop3A_170 = tpu.vector_load %arg13[%parallel_loop3A_169] {strides = array<i32>} : memref<12800xf32, #tpu.memory_space<vmem>>, vector<16xf32>,
      tpu.vector_store %arg13[%parallel_loop3A_169], %parallel_loop3A_166 {strides = array<i32>} : memref<12800xf32, #tpu.memory_space<vmem>>, vector<16xf32>,
    } {sc.loop_unroll_factor = 8 : i64, sc.parallel_access}
    %add3A_100 = arith.constant 64 : i32
    %add3A_101 = arith.addi %add3A, %add3A_100 : i32
    %mul3A_102 = arith.constant 12800 : i32
    %mul3A_103 = arith.muli %add3A_101, %mul3A_102 : i32
    %multiple_of3A_104 = tpu.assume_multiple %mul3A_103, 128 : i32
    %dma_start3A_105 = tpu.memref_slice %arg6[%multiple_of3A_104] : memref<1600000xf32, #tpu.memory_space<hbm>> -> memref<12800xf32, #tpu.memory_space<hbm>>
    %dma_start3A_106 = tpu.memref_slice %arg6[%multiple_of3A_104] : memref<1600000xf32, #tpu.memory_space<hbm>> -> memref<12800xf32, #tpu.memory_space<hbm>>
    tpu.enqueue_dma source(%arg13 : memref<12800xf32, #tpu.memory_space<vmem>>) target(%dma_start3A_106 : memref<12800xf32, #tpu.memory_space<hbm>>) target_semaphore(%arg17 : memref<!tpu.dma_semaphore, #tpu.memory_space<semaphore_mem>>)
    %add3A_107 = arith.constant 96 : i32
    %add3A_108 = arith.addi %add3A, %add3A_107 : i32
    %lt3A_109 = arith.constant 125 : i32
    %lt3A_110 = arith.cmpi slt, %add3A_108, %lt3A_109 : i32
    %convert_element_type3A_111 = arith.extui %lt3A_110 : i1 to i32
    %cond3A_112 = arith.constant 0 : i32
    %cond3A_113 = arith.cmpi ne, %convert_element_type3A_111, %cond3A_112 : i32
    scf.if %cond3A_113 {
      %add3A_128 = arith.constant 96 : i32
      %add3A_129 = arith.addi %add3A, %add3A_128 : i32
      %mul3A_130 = arith.constant 12800 : i32
      %mul3A_131 = arith.muli %add3A_129, %mul3A_130 : i32
      %multiple_of3A_132 = tpu.assume_multiple %mul3A_131, 128 : i32
      %dma_wait3A_133 = arith.constant 0 : i32
      %dma_wait3A_134 = tpu.memref_slice %arg2[%dma_wait3A_133, %multiple_of3A_132] : memref<2x1600000xi32, #tpu.memory_space<hbm>> -> memref<2x12800xi32, #tpu.memory_space<hbm>>
      %dma_wait3A_135 = arith.constant 0 : i32
      %dma_wait3A_136 = tpu.memref_slice %arg2[%dma_wait3A_135, %multiple_of3A_132] : memref<2x1600000xi32, #tpu.memory_space<hbm>> -> memref<2x12800xi32, #tpu.memory_space<hbm>>
      tpu.wait_dma2 semaphore(%arg16 : memref<!tpu.dma_semaphore, #tpu.memory_space<semaphore_mem>>) src(%dma_wait3A_136 : memref<2x12800xi32, #tpu.memory_space<hbm>>) dst(%arg10 : memref<2x12800xi32, #tpu.memory_space<vmem>>)
      %dma_wait3A_137 = tpu.memref_slice %arg3[%multiple_of3A_132] : memref<1600000xf32, #tpu.memory_space<hbm>> -> memref<12800xf32, #tpu.memory_space<hbm>>
      %dma_wait3A_138 = tpu.memref_slice %arg3[%multiple_of3A_132] : memref<1600000xf32, #tpu.memory_space<hbm>> -> memref<12800xf32, #tpu.memory_space<hbm>>
      tpu.wait_dma2 semaphore(%arg16 : memref<!tpu.dma_semaphore, #tpu.memory_space<semaphore_mem>>) src(%dma_wait3A_138 : memref<12800xf32, #tpu.memory_space<hbm>>) dst(%arg12 : memref<12800xf32, #tpu.memory_space<vmem>>)
      %add3A_139 = arith.constant 32 : i32
      %add3A_140 = arith.addi %add3A, %add3A_139 : i32
      %mul3A_141 = arith.constant 12800 : i32
      %mul3A_142 = arith.muli %add3A_140, %mul3A_141 : i32
      %multiple_of3A_143 = tpu.assume_multiple %mul3A_142, 128 : i32
      %dma_wait3A_144 = tpu.memref_slice %arg6[%multiple_of3A_143] : memref<1600000xf32, #tpu.memory_space<hbm>> -> memref<12800xf32, #tpu.memory_space<hbm>>
      %dma_wait3A_145 = tpu.memref_slice %arg6[%multiple_of3A_143] : memref<1600000xf32, #tpu.memory_space<hbm>> -> memref<12800xf32, #tpu.memory_space<hbm>>
      tpu.wait_dma2 semaphore(%arg18 : memref<!tpu.dma_semaphore, #tpu.memory_space<semaphore_mem>>) src(%arg14 : memref<12800xf32, #tpu.memory_space<vmem>>) dst(%dma_wait3A_145 : memref<12800xf32, #tpu.memory_space<hbm>>)
      %parallel_loop3A_146 = arith.constant 0 : i32
      %parallel_loop3A_147 = arith.constant 800 : i32
      %parallel_loop3A_148 = arith.constant 1 : i32
      scf.for %parallel_loop3A_156 = %parallel_loop3A_146 to %parallel_loop3A_147 step %parallel_loop3A_148  : i32 {
        %parallel_loop3A_157 = arith.constant 16 : i32
        %parallel_loop3A_158 = arith.muli %parallel_loop3A_156, %parallel_loop3A_157 : i32
        %parallel_loop3A_159 = arith.constant 0 : i32
        %parallel_loop3A_160 = arith.index_cast %parallel_loop3A_159 : i32 to index
        %parallel_loop3A_161 = arith.index_cast %parallel_loop3A_158 : i32 to index
        %parallel_loop3A_162 = tpu.vector_load %arg10[%parallel_loop3A_160, %parallel_loop3A_161] {strides = array<i32>} : memref<2x12800xi32, #tpu.memory_space<vmem>>, vector<16xi32>,
        %parallel_loop3A_163 = arith.constant 16 : i32
        %parallel_loop3A_164 = arith.muli %parallel_loop3A_156, %parallel_loop3A_163 : i32
        %parallel_loop3A_165 = arith.constant 1 : i32
        %parallel_loop3A_166 = arith.index_cast %parallel_loop3A_165 : i32 to index
        %parallel_loop3A_167 = arith.index_cast %parallel_loop3A_164 : i32 to index
        %parallel_loop3A_168 = tpu.vector_load %arg10[%parallel_loop3A_166, %parallel_loop3A_167] {strides = array<i32>} : memref<2x12800xi32, #tpu.memory_space<vmem>>, vector<16xi32>,
        %parallel_loop3A_169 = arith.constant 16 : i32
        %parallel_loop3A_170 = arith.muli %parallel_loop3A_156, %parallel_loop3A_169 : i32
        %parallel_loop3A_171 = arith.index_cast %parallel_loop3A_170 : i32 to index
        %parallel_loop3A_172 = tpu.vector_load %arg12[%parallel_loop3A_171] {strides = array<i32>} : memref<12800xf32, #tpu.memory_space<vmem>>, vector<16xf32>,
        %parallel_loop3A_173 = arith.constant 94 : i32
        %parallel_loop3A_174 = vector.broadcast %parallel_loop3A_173 : i32 to vector<16xi32>
        %parallel_loop3A_175 = arith.muli %parallel_loop3A_162, %parallel_loop3A_174 : vector<16xi32>
        %parallel_loop3A_176 = arith.addi %parallel_loop3A_175, %parallel_loop3A_168 : vector<16xi32>
        %parallel_loop3A_177 = tpu.vector_load_idx %arg7[%parallel_loop3A_176] : memref<8836xf32, #tpu.memory_space<vmem>>[vector<16xi32>], vector<16xf32>,
        %parallel_loop3A_178 = arith.mulf %parallel_loop3A_172, %parallel_loop3A_177 : vector<16xf32>
        %parallel_loop3A_179 = arith.constant 1.000000e+00 : f32
        %parallel_loop3A_180 = vector.broadcast %parallel_loop3A_179 : f32 to vector<16xf32>
        %parallel_loop3A_181 = arith.addf %parallel_loop3A_180, %parallel_loop3A_178 : vector<16xf32>
        %parallel_loop3A_182 = arith.constant 1.000000e+00 : f32
        %parallel_loop3A_183 = vector.broadcast %parallel_loop3A_182 : f32 to vector<16xf32>
        %parallel_loop3A_184 = arith.divf %parallel_loop3A_183, %parallel_loop3A_181 : vector<16xf32>
        %parallel_loop3A_185 = arith.mulf %parallel_loop3A_172, %parallel_loop3A_184 : vector<16xf32>
        %parallel_loop3A_186 = arith.mulf %parallel_loop3A_185, %parallel_loop3A_185 : vector<16xf32>
        %parallel_loop3A_187 = arith.mulf %parallel_loop3A_186, %parallel_loop3A_186 : vector<16xf32>
        %parallel_loop3A_188 = arith.mulf %parallel_loop3A_187, %parallel_loop3A_186 : vector<16xf32>
        %parallel_loop3A_189 = arith.mulf %parallel_loop3A_187, %parallel_loop3A_187 : vector<16xf32>
        %parallel_loop3A_190 = arith.mulf %parallel_loop3A_184, %parallel_loop3A_184 : vector<16xf32>
        %parallel_loop3A_191 = arith.mulf %parallel_loop3A_190, %parallel_loop3A_190 : vector<16xf32>
        %parallel_loop3A_192 = arith.mulf %parallel_loop3A_191, %parallel_loop3A_191 : vector<16xf32>
        %parallel_loop3A_193 = arith.select %gt3A_12, %parallel_loop3A_188, %parallel_loop3A_189 : vector<16xi1>, vector<16xf32>
        %parallel_loop3A_194 = arith.mulf %parallel_loop3A_193, %parallel_loop3A_192 : vector<16xf32>
        %parallel_loop3A_195 = arith.constant 16 : i32
        %parallel_loop3A_196 = arith.muli %parallel_loop3A_156, %parallel_loop3A_195 : i32
        %parallel_loop3A_197 = arith.index_cast %parallel_loop3A_196 : i32 to index
        %parallel_loop3A_198 = tpu.vector_load %arg14[%parallel_loop3A_197] {strides = array<i32>} : memref<12800xf32, #tpu.memory_space<vmem>>, vector<16xf32>,
        tpu.vector_store %arg14[%parallel_loop3A_197], %parallel_loop3A_194 {strides = array<i32>} : memref<12800xf32, #tpu.memory_space<vmem>>, vector<16xf32>,
      } {sc.loop_unroll_factor = 8 : i64, sc.parallel_access}
      %add3A_149 = arith.constant 96 : i32
      %add3A_150 = arith.addi %add3A, %add3A_149 : i32
      %mul3A_151 = arith.constant 12800 : i32
      %mul3A_152 = arith.muli %add3A_150, %mul3A_151 : i32
      %multiple_of3A_153 = tpu.assume_multiple %mul3A_152, 128 : i32
      %dma_start3A_154 = tpu.memref_slice %arg6[%multiple_of3A_153] : memref<1600000xf32, #tpu.memory_space<hbm>> -> memref<12800xf32, #tpu.memory_space<hbm>>
      %dma_start3A_155 = tpu.memref_slice %arg6[%multiple_of3A_153] : memref<1600000xf32, #tpu.memory_space<hbm>> -> memref<12800xf32, #tpu.memory_space<hbm>>
      tpu.enqueue_dma source(%arg14 : memref<12800xf32, #tpu.memory_space<vmem>>) target(%dma_start3A_155 : memref<12800xf32, #tpu.memory_space<hbm>>) target_semaphore(%arg18 : memref<!tpu.dma_semaphore, #tpu.memory_space<semaphore_mem>>)
    } else {
    }
    %add3A_114 = arith.constant 64 : i32
    %add3A_115 = arith.addi %add3A, %add3A_114 : i32
    %mul3A_116 = arith.constant 12800 : i32
    %mul3A_117 = arith.muli %add3A_115, %mul3A_116 : i32
    %multiple_of3A_118 = tpu.assume_multiple %mul3A_117, 128 : i32
    %dma_wait3A_119 = tpu.memref_slice %arg6[%multiple_of3A_118] : memref<1600000xf32, #tpu.memory_space<hbm>> -> memref<12800xf32, #tpu.memory_space<hbm>>
    %dma_wait3A_120 = tpu.memref_slice %arg6[%multiple_of3A_118] : memref<1600000xf32, #tpu.memory_space<hbm>> -> memref<12800xf32, #tpu.memory_space<hbm>>
    tpu.wait_dma2 semaphore(%arg17 : memref<!tpu.dma_semaphore, #tpu.memory_space<semaphore_mem>>) src(%arg13 : memref<12800xf32, #tpu.memory_space<vmem>>) dst(%dma_wait3A_120 : memref<12800xf32, #tpu.memory_space<hbm>>)
    %add3A_121 = arith.constant 96 : i32
    %add3A_122 = arith.addi %add3A, %add3A_121 : i32
    %lt3A_123 = arith.constant 125 : i32
    %lt3A_124 = arith.cmpi slt, %add3A_122, %lt3A_123 : i32
    %convert_element_type3A_125 = arith.extui %lt3A_124 : i1 to i32
    %cond3A_126 = arith.constant 0 : i32
    %cond3A_127 = arith.cmpi ne, %convert_element_type3A_125, %cond3A_126 : i32
    scf.if %cond3A_127 {
      %add3A_128 = arith.constant 96 : i32
      %add3A_129 = arith.addi %add3A, %add3A_128 : i32
      %mul3A_130 = arith.constant 12800 : i32
      %mul3A_131 = arith.muli %add3A_129, %mul3A_130 : i32
      %multiple_of3A_132 = tpu.assume_multiple %mul3A_131, 128 : i32
      %dma_wait3A_133 = tpu.memref_slice %arg6[%multiple_of3A_132] : memref<1600000xf32, #tpu.memory_space<hbm>> -> memref<12800xf32, #tpu.memory_space<hbm>>
      %dma_wait3A_134 = tpu.memref_slice %arg6[%multiple_of3A_132] : memref<1600000xf32, #tpu.memory_space<hbm>> -> memref<12800xf32, #tpu.memory_space<hbm>>
      tpu.wait_dma2 semaphore(%arg18 : memref<!tpu.dma_semaphore, #tpu.memory_space<semaphore_mem>>) src(%arg14 : memref<12800xf32, #tpu.memory_space<vmem>>) dst(%dma_wait3A_134 : memref<12800xf32, #tpu.memory_space<hbm>>)
    } else {
    }
    return
  }
}

</mosaic_0001>

<sc_bundles>
// kernel: kernel.3.cloned.1.call-start
scs
__scs_entry_jumppad:
0x0: {  	(pc) =	sbr.rel $0x88, $3  }
0x1: {  	(tag) =	ssettag $0x0;
	lr =	simm.s32 $0x1  }
0x2: {  	[smem:$0x3F9B] =	sst lr;
	_ =	strace $0xD0000000  }
0x3: {  	_ = 	snop  }
0x4: {  	_ = 	snop  }
0x5: {  	_ = 	snop  }
0x6: {  	_ = 	snop  }
0x7: {  	_ = 	snop  }
__scs_overlays_trampoline_lowered:
0x8: {  	[smem:$0x3FAA] =	sst s0  }
0x9: {  	[smem:$0x3FAB] =	sst s1  }
0xa: {  	[smem:$0x3FAC] =	sst s2  }
0xb: {  	[smem:$0x3FAD] =	sst s3  }
0xc: {  	[smem:$0x3FAE] =	sst s4  }
0xd: {  	[smem:$0x3FAF] =	sst s5  }
0xe: {  	[smem:$0x3FB0] =	sst s6  }
0xf: {  	[smem:$0x3FB1] =	sst s7  }
0x10: {  	[smem:$0x3FB2] =	sst s8  }
0x11: {  	[smem:$0x3FB3] =	sst s9;
	s0 =	simm.s32 @!p0 $0x0  }
0x12: {  	s1 =	sld [smem:$0x3F99];
	s0 =	simm.s32 @p0 $0x1  }
0x13: {  	[smem:$0x3FB4] =	sst s0;
	s0 =	simm.s32 @!p1 $0x0  }
0x14: {  	s2 =	sld [smem:$0x3F98];
	s0 =	simm.s32 @p1 $0x1  }
0x15: {  	[smem:$0x3FB5] =	sst s0;
	s0 =	simm.s32 @!p2 $0x0  }
0x16: {  	s3 =	sld [smem:$0x3FDB];
	s0 =	simm.s32 @p2 $0x1  }
0x17: {  	s4 =	simm.s32 $0x1BF5;
	[smem:$0x3FB7] =	sst s0  }
0x18: {  	s0 =	sld [smem:$0x3F9A];
	_ =	swait.ge [sflag:s4], $0x0  }
0x19: {  	s7 =	sld [smem:$0x3F9B]  }
0x1a: {  	s8 =	sadd.s32 $0xFFFFE003, lr  }
0x1b: {  	s9 =	sadd.s32 $0xFFFFFEF7, lr;
	s5 =	simm.s32 $0xFFFFFFFF;
	p2 =	slt.u32 s8, $0xFFFFF086  }
0x1c: {  	p1 =	slt.u32 s9, $0xF7A;
	s5 =	simm.s32 @!p2 $0x0  }
0x1d: {  	s5 =	simm.s32 @p1 $0x1;
	p0 =	seq.s32 s7, s2  }
0x1e: {  	s7 =	smul.u32 @!p0 $0xF7A, s2;
	p2 =	seq.s32 @!p0 s5, $0x0  }
0x1f: {  	s9 =	smul.u32 $0xF7A, s1;
	s8 =	simm.s32 @!p0 $0x1BF5;
	p2 =	por !p2, p0  }
0x20: {  	[sflag:s8] =	ssyncset.s32 @!p0 $0xFFFFF086;
	s6 =	sadd.s32 @!p0 s3, s7;
	s7 =	simm.s32 @!p0 $0x108  }
0x21: {  	s3 =	sadd.s32 s3, s9;
	s6 =	sadd.s32 @!p0 $0x88, s6;
	s7 =	simm.s32 @p2 $0x1082  }
0x22: {  	[simem:s7], [sflag:s8] =	dma.local @!p0 [hbm:s6], $0xF7A  }
0x23: {  	s9 =	sor.u32 $0xD0000000, s2;
	s6 =	simm.s32 $0x108;
	_ =	swait.ge @!p0 [sflag:s8], $0x0  }
0x24: {  	s3 =	sadd.s32 $0x88, s3;
	s6 =	simm.s32 @!p1 $0x1082;
	[sflag:s4] =	ssyncset.s32 $0xFFFFF086  }
0x25: {  	[simem:s6], [sflag:s4] =	dma.local [hbm:s3], $0xF7A  }
0x26: {  	[smem:$0x3F9B] =	sst s1;
	(tag) =	ssettag s2;
	_ =	strace s9  }
0x27: {  	s1 =	sld [smem:$0x3FAB]  }
0x28: {  	s2 =	sld [smem:$0x3FAC]  }
0x29: {  	s4 =	sld [smem:$0x3FAE]  }
0x2a: {  	p0 =	seq.s32 s5, $0x0;
	s5 =	sld [smem:$0x3FAF]  }
0x2b: {  	s6 =	sld [smem:$0x3FB0]  }
0x2c: {  	s7 =	sld [smem:$0x3FB1]  }
0x2d: {  	s3 =	simm.s32 $0x108;
	s8 =	sld [smem:$0x3FB2]  }
0x2e: {  	s3 =	simm.s32 @!p0 $0x1082;
	s9 =	sld [smem:$0x3FB3]  }
0x2f: {  	lr =	sadd.s32 s0, s3;
	s0 =	sld [smem:$0x3FAA]  }
0x30: {  	s3 =	sld [smem:$0x3FAD]  }
0x31: {  	[smem:$0x3FB6] =	sst s10  }
0x32: {  	s10 =	sld [smem:$0x3FB4];
	_ =	sdelay $0x3  }
0x33: {  	p0 =	seq.s32 s10, $0x1;
	s10 =	sld [smem:$0x3FB6];
	_ =	sdelay $0x3  }
0x34: {  	[smem:$0x3FB6] =	sst s10  }
0x35: {  	s10 =	sld [smem:$0x3FB5];
	_ =	sdelay $0x3  }
0x36: {  	p1 =	seq.s32 s10, $0x1;
	s10 =	sld [smem:$0x3FB6];
	_ =	sdelay $0x3  }
0x37: {  	[smem:$0x3FB6] =	sst s10  }
0x38: {  	s10 =	sld [smem:$0x3FB7]  }
0x39: {  	_ = 	snop;
	(pc) =	sbr.ind lr, $3  }
0x3a: {  	_ = 	snop  }
0x3b: {  	_ = 	snop  }
0x3c: {  	p2 =	seq.s32 s10, $0x1;
	s10 =	sld [smem:$0x3FB6]  }
0x3d: {  	_ =	shalt  }
0x3e: {  	_ =	shalt  }
0x3f: {  	_ =	shalt  }
0x40: {  	_ =	shalt  }
0x41: {  	_ =	shalt  }
0x42: {  	_ =	shalt  }
0x43: {  	_ =	shalt  }
0x44: {  	_ =	shalt  }
0x45: {  	_ =	shalt  }
0x46: {  	_ =	shalt  }
0x47: {  	_ =	shalt  }
0x48: {  	_ =	shalt  }
0x49: {  	_ =	shalt  }
0x4a: {  	_ =	shalt  }
0x4b: {  	_ =	shalt  }
0x4c: {  	_ =	shalt  }
0x4d: {  	_ =	shalt  }
0x4e: {  	_ =	shalt  }
0x4f: {  	_ =	shalt  }
0x50: {  	_ =	shalt  }
0x51: {  	_ =	shalt  }
0x52: {  	_ =	shalt  }
0x53: {  	_ =	shalt  }
0x54: {  	_ =	shalt  }
0x55: {  	_ =	shalt  }
0x56: {  	_ =	shalt  }
0x57: {  	_ =	shalt  }
0x58: {  	_ =	shalt  }
0x59: {  	_ =	shalt  }
0x5a: {  	_ =	shalt  }
0x5b: {  	_ =	shalt  }
0x5c: {  	_ =	shalt  }
0x5d: {  	_ =	shalt  }
0x5e: {  	_ =	shalt  }
0x5f: {  	_ =	shalt  }
0x60: {  	_ =	shalt  }
0x61: {  	_ =	shalt  }
0x62: {  	_ =	shalt  }
0x63: {  	_ =	shalt  }
0x64: {  	_ =	shalt  }
0x65: {  	_ =	shalt  }
0x66: {  	_ =	shalt  }
0x67: {  	_ =	shalt  }
0x68: {  	_ =	shalt  }
0x69: {  	_ =	shalt  }
0x6a: {  	_ =	shalt  }
0x6b: {  	_ =	shalt  }
0x6c: {  	_ =	shalt  }
0x6d: {  	_ =	shalt  }
0x6e: {  	_ =	shalt  }
0x6f: {  	_ =	shalt  }
0x70: {  	_ =	shalt  }
0x71: {  	_ =	shalt  }
0x72: {  	_ =	shalt  }
0x73: {  	_ =	shalt  }
0x74: {  	_ =	shalt  }
0x75: {  	_ =	shalt  }
0x76: {  	_ =	shalt  }
0x77: {  	_ =	shalt  }
0x78: {  	_ =	shalt  }
0x79: {  	_ =	shalt  }
0x7a: {  	_ =	shalt  }
0x7b: {  	_ =	shalt  }
0x7c: {  	_ =	shalt  }
0x7d: {  	_ =	shalt  }
0x7e: {  	_ =	shalt  }
0x7f: {  	_ =	shalt  }
0x80: {  	_ =	shalt  }
0x81: {  	_ =	shalt  }
0x82: {  	_ =	shalt  }
0x83: {  	_ =	shalt  }
0x84: {  	_ =	shalt  }
0x85: {  	_ =	shalt  }
0x86: {  	_ =	shalt  }
0x87: {  	_ =	shalt  }
.Lfunc_end0:
.L_simem_size_0:
called_computation_lowered:
.L_overlay_start_0:
0x88: {  	s2 =	sld [smem:$0x3FD9]  }
0x89: {  	s3 =	sld [smem:$0x3FFE];
	_ =	sdelay $0x1  }
0x8a: {  	s1 =	srdreg.scid  }
0x8b: {  	s0 =	sand.u32 $0x1, s1  }
0x8c: {  	s17 =	sshll.u32 s0, $0xA;
	s2 =	sadd.s32 s3, s2  }
0x8d: {  	s2 =	sadd.s32 s2, s17  }
0x8e: {  	[smem:$0x3FC2] =	sst s2  }
0x8f: {  	_ = 	snop  }
0x90: {  	s2 =	sld [smem:$0x3FC9]  }
0x91: {  	s18 =	sld [smem:$0x3FC8]  }
0x92: {  	s4 =	sld [smem:$0x3FD0];
	(tm) =	ssettm $0x1  }
0x93: {  	s5 =	sld [smem:$0x3FFB];
	_ =	sdelay $0x3  }
0x94: {  	_ =	strace s5  }
0x95: {  	s5 =	sld [smem:$0x3FFC];
	_ =	sdelay $0x3  }
0x96: {  	_ =	strace s5  }
0x97: {  	s5 =	sld [smem:$0x3FFD];
	_ =	sdelay $0x3  }
0x98: {  	_ =	strace s5  }
0x99: {  	_ =	strace $0x8FFFFFFF  }
0x9a: {  	s19 =	sld [smem:$0x3FDB];
	_ =	sdelay $0x1  }
0x9b: {  	s6 =	simm.s32 $_scs_section_size  }
0x9c: {  	s7 =	simm.s32 $_size__tile_overlayer_lowered;
	s8 =	simm.s32 $_tile_overlayer_lowered  }
0x9d: {  	s22 =	simm.s32 $0x1BFF;
	s21 =	sshll.u32 s8, $0x1;
	s5 =	sadd.s32 s6, s19  }
0x9e: {  	s9 =	simm.s32 $0x0;
	s20 =	sshll.u32 s7, $0x1;
	s7 =	sadd.s32 s21, s5  }
0x9f: {  	[timem:s9], [sflag:s22] =	dma.local [hbm:s7], s20  }
0xa0: {  	_ =	swait.ge [sflag:s22], s20  }
0xa1: {  	s6 =	ssub.s32 $0x0, s20;
	[sflag:s22] =	ssyncset.done $0x0  }
0xa2: {  	[sflag:s22] =	ssyncadd.s32 s6;
	_ =	sdelay $0x1  }
0xa3: {  	s23 =	simm.s32 $0x1B8B  }
0xa4: {  	_ =	swait.ge [sflag:s23], $0x1  }
0xa5: {  	[sflag:s23] =	ssyncset.done $0x0  }
0xa6: {  	s25 =	simm.s32 $0x1B8E;
	s24 =	sld [smem:$0x3FFE];
	[sflag:s23] =	ssyncadd.s32 $0xFFFFFFFF  }
0xa7: {  	s26 =	simm.s32 $execute0_lowered;
	[smem:$0x3FD2] =	sst s25  }
0xa8: {  	s7 =	sshll.u32 s26, $0x1;
	_ =	strace $0x80000046;
	[dreg:$0x1] =	wrdreg $0xFFFFFFFF  }
0xa9: {  	s28 =	simm.s32 $_size_execute0_lowered;
	s5 =	sadd.s32 s5, s7;
	[dreg:$0x0] =	wrdreg $0x0  }
0xaa: {  	s7 =	sshll.u32 s28, $0x1;
	[dreg:$0x2] =	wrdreg s5  }
0xab: {  	[dreg:$0x3] =	wrdreg s7  }
0xac: {  	[dreg:$0x4] =	wrdreg $0xC0  }
0xad: {  	_ =	task [dreg:s9], $0x5FFFF  }
0xae: {  	[dreg:$0x1] =	wrdreg $0xFFFFFFFF  }
0xaf: {  	[dreg:$0x0] =	wrdreg $0x60  }
0xb0: {  	[dreg:$0x2] =	wrdreg s2  }
0xb1: {  	[dreg:$0x3] =	wrdreg s18  }
0xb2: {  	[dreg:$0x4] =	wrdreg s24  }
0xb3: {  	[dreg:$0x5] =	wrdreg s4  }
0xb4: {  	[dreg:$0x6] =	wrdreg $0x9  }
0xb5: {  	_ =	task.clear_ibuf [dreg:s9], $0x7FFFF;
	_ =	strace $0x90000046  }
0xb6: {  	s29 =	simm.s32 $0x9;
	_ =	strace $0x80000048  }
0xb7: {  	_ =	swait.ge [sflag:s29], $0x1  }
0xb8: {  	[sflag:s29] =	ssyncadd.s32 $0xFFFFFFFF  }
0xb9: {  	_ =	strace $0x90000048  }
0xba: {  	_ =	sfence  }
0xbb: {  	s30 =	sld [smem:$0x0];
	_ =	sdelay $0x2  }
0xbc: {  	s31 =	sshll.u32 s1, $0xD;
	s1 =	sshrl.u32 s1, $0x2  }
0xbd: {  	s3 =	sand.u32 $0x4000, s31;
	s1 =	sadd.s32 s1, s30  }
0xbe: {  	s0 =	sor.u32 s3, s0;
	s1 =	sshll.u32 s1, $0x11  }
0xbf: {  	s0 =	sor.u32 s1, s0  }
0xc0: {  	s0 =	sadd.s32 $0x8F2B, s0  }
0xc1: {  	[sflag:s0] =	ssyncadd.remote.s32 $0x1  }
0xc2: {  	_ =	sfence.sel $0xFFFF  }
0xc3: {  	[dreg:$0x0] =	wrdreg $0xFFFFFFFF;
	(pc) =	sbr.abs _section_cstart, $3  }
0xc4: {  	[dreg:$0x1] =	wrdreg $0xFFFFFFFF  }
0xc5: {  	_ =	task.clear_ibuf [dreg:s9], $0x2FFFF;
	_ =	strace $0x9FFFFFFF  }
0xc6: {  	(tm) =	ssettm $0x7FFFFFFF  }
0xc7: {  	_ =	shalt  }
tec
execute0_lowered:
.L_overlay_start_1:
0x0: {  	(tag) =	ssettag $0x1  }
0x1: {  	s0 =	rddreg [dreg:$0x0]  }
0x2: {  	s1 =	rddreg [dreg:$0x1]  }
0x3: {  	s4 =	rddreg [dreg:$0x2]  }
0x4: {  	s16 =	rddreg [dreg:$0x3]  }
0x5: {  	s3 =	srdreg.scid;
	s6 =	stileid.u32  }
0x6: {  	s2 =	simm.s32 $0x0;
	s19 =	simm.s32 $0xEB80;
	s20 =	simm.s32 $0x5  }
0x7: {  	s28 =	simm.s32 $0x18180;
	s5 =	sand.u32 $0x1, s3;
	s23 =	sshll.u32 s6, $0x1  }
0x8: {  	s29 =	simm.s32 $0x3;
	s30 =	simm.s32 $0x4;
	s21 =	sor.u32 s5, s23  }
0x9: {  	s31 =	simm.s32 $0x0;
	[smem:$0x7FF] =	sst s2;
	s9 =	smul.u32 $0x3200, s21  }
0xa: {  	s3 =	sadd.s32 $0x400, s4;
	s4 =	sadd.s32 $0xA00, s4;
	s24 =	smul.u32 $0xC80, s21  }
0xb: {  	s5 =	ssub.s32 $0x2, s5;
	s10 =	smul.u32 $0x640, s21;
	s13 =	sor.u32 $0x60, s21  }
0xc: {  	_ =	strace $0x80000047;
	s7 =	sshrl.u32 s5, $0x1;
	s14 =	smul.u32 $0xC80, s13  }
0xd: {  	p0 =	sgt.u32 s21, $0x1C;
	s17 =	ssub.s32 s5, s7;
	s18 =	smul.u32 $0x640, s13  }
0xe: {  	s8 =	sadd.s32 $0x64000, s9;
	s5 =	sadd.s32 s0, s24;
	s6 =	sadd.s32 s1, s10  }
0xf: {  	s11 =	sadd.s32 $0xC8000, s9;
	s9 =	sadd.s32 s16, s10;
	s17 =	smax.u32 s17, $0x1  }
0x10: {  	s24 =	simm.s32 $0x1;
	s25 =	sshrl.u32 s8, $0x2;
	s12 =	sshrl.u32 s8, $0x3  }
.Ltmp0:
0x11: {  	s26 =	sshrl.u32 s11, $0x2;
	s15 =	sshrl.u32 s11, $0x3;
	(pc) =	sbr.rel .LBB2_1-.Ltmp0, $4  }
0x12: {  	s13 =	sadd.s32 s0, s14;
	s14 =	sadd.s32 s1, s18;
	s7 =	sadd.s32 s0, s25  }
0x13: {  	s8 =	sadd.s32 s1, s12;
	s10 =	sadd.s32 s0, s26;
	s11 =	sadd.s32 s1, s15  }
0x14: {  	s12 =	sadd.s32 s16, s12;
	s15 =	sadd.s32 s16, s15;
	s16 =	sadd.s32 s16, s18  }
0x15: {  	s18 =	simm.s32 $0x2380;
	s25 =	simm.s32 $0x14F80;
	s26 =	simm.s32 $0x2  }
.LBB2_10:
0x16: {  	v10 =	vmul.f32 v20, v10;
	v16 =	vmul.f32 v17, v17  }
0x17: {  	(erf) = vrcp.f32 v22;
	v3 =	vmul.f32 v3, v3  }
0x18: {  	v14 =	vmul.f32 v14, v14;
	v36 =	vmul.f32 v20, v20  }
0x19: {  	v18 =	vpop (erf);
	v8 =	vmul.f32 v8, v8;
	v38 =	vmul.f32 v5, v5  }
0x1a: {  	v0 =	vmul.f32 v0, v0;
	v15 =	vsel vm0, v15, v11;
	v9 =	vmul.f32 v18, v9  }
0x1b: {  	v18 =	vmul.f32 v18, v18;
	v11 =	vmul.f32 v15, v11  }
0x1c: {  	v19 =	vpop (erf);
	v10 =	vmul.f32 v10, v10;
	v3 =	vmul.f32 v3, v3  }
0x1d: {  	v7 =	vmul.f32 v19, v7;
	v19 =	vmul.f32 v19, v19  }
0x1e: {  	v21 =	vpop (erf);
	v25 =	vmul.f32 v14, v14;
	v0 =	vmul.f32 v0, v0  }
0x1f: {  	v17 =	vmul.f32 v36, v36;
	v13 =	vmul.f32 v21, v13  }
0x20: {  	v5 =	vsel vm0, v5, v38;
	v9 =	vmul.f32 v9, v9;
	v21 =	vmul.f32 v21, v21  }
0x21: {  	v39 =	vpop (erf);
	v5 =	vmul.f32 v5, v38;
	v58 =	vmul.f32 v18, v18  }
0x22: {  	v37 =	vmul.f32 v10, v10;
	v6 =	vmul.f32 v39, v6  }
0x23: {  	v19 =	vmul.f32 v19, v19;
	v3 =	vmul.f32 v3, v3  }
0x24: {  	v7 =	vmul.f32 v7, v7;
	v0 =	vmul.f32 v12, v0  }
0x25: {  	v46 =	vmul.f32 v17, v17;
	v52 =	vmul.f32 v39, v39  }
0x26: {  	v24 =	vpop (erf);
	v13 =	vmul.f32 v13, v13;
	v23 =	vmul.f32 v9, v9  }
0x27: {  	v21 =	vmul.f32 v21, v21;
	v2 =	vmul.f32 v24, v2  }
0x28: {  	v14 =	vsel vm0, v14, v25;
	v24 =	vmul.f32 v24, v24;
	v5 =	vmul.f32 v5, v8  }
0x29: {  	v44 =	vmul.f32 v14, v25;
	v60 =	vmul.f32 v58, v58  }
0x2a: {  	v26 =	vpop (erf);
	v41 =	vmul.f32 v7, v7;
	v19 =	vmul.f32 v19, v19  }
0x2b: {  	v27 =	vmul.f32 v26, v26;
	v4 =	vmul.f32 v26, v4  }
0x2c: {  	v10 =	vsel vm0, v10, v37;
	v3 =	vmul.f32 v11, v3;
	v6 =	vmul.f32 v6, v6  }
0x2d: {  	v56 =	vmul.f32 v52, v52;
	v10 =	vmul.f32 v10, v37  }
0x2e: {  	v40 =	vmul.f32 v13, v13;
	v2 =	vmul.f32 v2, v2  }
0x2f: {  	v24 =	vmul.f32 v24, v24;
	v12 =	vmul.f32 v44, v16  }
0x30: {  	v47 =	vmul.f32 v21, v21;
	v49 =	vsel vm0, v9, v23;
	v43 =	vmul.f32 v27, v27  }
0x31: {  	v50 =	vmul.f32 v6, v6;
	v51 =	vmul.f32 v49, v23  }
0x32: {  	v7 =	vsel vm0, v7, v41;
	v55 =	vmul.f32 v4, v4;
	v4 =	vmul.f32 v56, v56  }
0x33: {  	v7 =	vmul.f32 v7, v41;
	v10 =	vmul.f32 v10, v46  }
0x34: {  	v13 =	vsel vm0, v13, v40;
	v42 =	vpop (erf);
	v54 =	vmul.f32 v2, v2;
	v57 =	vmul.f32 v24, v24  }
0x35: {  	v13 =	vmul.f32 v13, v40;
	v1 =	vmul.f32 v42, v1  }
0x36: {  	[tilespmem:s21+$0x30] =	vst v0;
	v8 =	vmul.f32 v42, v42;
	v53 =	vmul.f32 v43, v43  }
0x37: {  	[tilespmem:s21+$0xFFFFFFC0] =	vst v5;
	v59 =	vmul.f32 v55, v55;
	v5 =	vmul.f32 v51, v60  }
0x38: {  	[tilespmem:s21+$0x10] =	vst v3;
	v6 =	vsel vm0, v6, v50;
	v7 =	vmul.f32 v7, v19;
	v1 =	vmul.f32 v1, v1  }
0x39: {  	s0 =	sadd.s32 $0x80, s0;
	[tilespmem:s21+$0xFFFFFFF0] =	vst v12;
	v2 =	vsel vm0, v2, v54;
	v62 =	vmul.f32 v6, v50;
	v8 =	vmul.f32 v8, v8  }
0x3a: {  	[tilespmem:s0+$0x0] =	vst v10;
	v48 =	vmul.f32 v13, v47;
	v3 =	vsel vm0, v55, v59;
	v45 =	vmul.f32 v1, v1  }
0x3b: {  	v2 =	vmul.f32 v2, v54;
	[tilespmem:s0+$0x30] =	vst v5;
	v3 =	vmul.f32 v3, v59  }
0x3c: {  	[tilespmem:s0+$0x20] =	vst v7;
	v63 =	vmul.f32 v62, v4;
	v8 =	vmul.f32 v8, v8;
	v1 =	vsel vm0, v1, v45  }
0x3d: {  	[tilespmem:s0+$0xFFFFFFD0] =	vst v48;
	v61 =	vmul.f32 v2, v57;
	v1 =	vmul.f32 v1, v45  }
0x3e: {  	v0 =	vmul.f32 v3, v53;
	[tilespmem:s0+$0x10] =	vst v63  }
0x3f: {  	[tilespmem:s0+$0xFFFFFFC0] =	vst v61;
	v1 =	vmul.f32 v1, v8  }
0x40: {  	[tilespmem:s0+$0xFFFFFFF0] =	vst v0  }
0x41: {  	[tilespmem:s0+$0xFFFFFFE0] =	vst v1  }
0x42: {  	[hbm4b:s16+s2] =	stream.linear.scatter [tilespmem:s28], [sflag:$0x4], $0x3200, $0x38;
	[tilespmem:$0x1B380] =	vst v63  }
0x43: {  	_ =	swait.ge [sflag:s29], $0x3200  }
0x44: {  	[sflag:s29] =	ssyncset.done $0x0  }
0x45: {  	s0 =	simm.s32 $0x4;
	[sflag:s29] =	ssyncadd.s32 $0xFFFFCE00  }
.LBB2_11:
0x46: {  	s31 =	sadd.s32 $0x1, s31  }
0x47: {  	p1 =	sne.s32 s31, s17  }
.Ltmp1:
0x48: {  	_ = 	snop;
	(pc) =	sbr.rel @!p1 .LBB2_12-.Ltmp1, $4  }
0x49: {  	_ = 	snop  }
0x4a: {  	_ =	swait.ge [sflag:s0], $0x3200  }
0x4b: {  	[sflag:s0] =	ssyncset.done $0x0  }
0x4c: {  	[sflag:s0] =	ssyncadd.s32 $0xFFFFCE00  }
.LBB2_1:
0x4d: {  	[tilespmem:s18], [sflag:$0x1] =	stream.linear.gather [hbm4b:s5+s2], $0x6400, $0x38;
	[tilespmem:$0x1B380] =	vst v63  }
0x4e: {  	_ = 	snop  }
0x4f: {  	[tilespmem:s19], [sflag:$0x1] =	stream.linear.gather [hbm4b:s6+s2], $0x3200, $0x38;
	[tilespmem:$0x1B380] =	vst v63  }
0x50: {  	_ = 	snop  }
0x51: {  	[tilespmem:s2], [sflag:$0x5] =	stream.linear.gather [hbm4b:s3+s2], $0x2300, $0x38;
	[tilespmem:$0x1B380] =	vst v63  }
0x52: {  	_ =	swait.ge [sflag:s20], $0x2300  }
0x53: {  	[sflag:s20] =	ssyncset.done $0x0  }
0x54: {  	s0 =	simm.s32 $0x2300;
	[sflag:s20] =	ssyncadd.s32 $0xFFFFDD00  }
0x55: {  	[tilespmem:s0], [sflag:$0x5] =	stream.linear.gather [hbm4b:s4+s2], $0x80, $0x38;
	[tilespmem:$0x1B380] =	vst v63  }
0x56: {  	_ =	swait.ge [sflag:s20], $0x80  }
0x57: {  	[sflag:s20] =	ssyncset.done $0x0  }
0x58: {  	s1 =	simm.s32 $0x8780;
	[sflag:s20] =	ssyncadd.s32 $0xFFFFFF80  }
0x59: {  	v0 =	vld [tilespmem:$0x2300];
	[tilespmem:s1], [sflag:$0x2] =	stream.linear.gather [hbm4b:s7+s2], $0x6400, $0x38  }
0x5a: {  	s21 =	simm.s32 $0x11D80  }
0x5b: {  	[tilespmem:s21], [sflag:$0x2] =	stream.linear.gather [hbm4b:s8+s2], $0x3200, $0x38;
	[tilespmem:$0x1B380] =	vst v63  }
0x5c: {  	_ =	swait.ge [sflag:s24], $0x6400  }
0x5d: {  	[sflag:s24] =	ssyncset.done $0x0  }
0x5e: {  	[sflag:s24] =	ssyncadd.s32 $0xFFFF9C00  }
0x5f: {  	_ =	swait.ge [sflag:s24], $0x3200  }
0x60: {  	[sflag:s24] =	ssyncset.done $0x0  }
0x61: {  	s22 =	simm.s32 $0x2400;
	[sflag:s24] =	ssyncadd.s32 $0xFFFFCE00  }
0x62: {  	v1 =	vld [tilespmem:s22+$0xFFFFFF80]  }
0x63: {  	v2 =	vld [tilespmem:s22+$0x60]  }
0x64: {  	v3 =	vld [tilespmem:s22+$0x40]  }
0x65: {  	v4 =	vld [tilespmem:s22+$0x30]  }
0x66: {  	v5 =	vld [tilespmem:s22+$0x50]  }
0x67: {  	v6 =	vld [tilespmem:s22+$0x10]  }
0x68: {  	v7 =	vld [tilespmem:s22+$0x20]  }
0x69: {  	v8 =	vld [tilespmem:s22+$0xFFFFFFC0]  }
0x6a: {  	v9 =	vld [tilespmem:s22+$0xFFFFFF90]  }
0x6b: {  	v10 =	vld [tilespmem:s22+$0xFFFFFFF0]  }
0x6c: {  	v11 =	vld [tilespmem:s22+$0xFFFFFFE0]  }
0x6d: {  	v12 =	vld [tilespmem:s22+$0x70]  }
0x6e: {  	v14 =	vld [tilespmem:s22+$0xFFFFFFD0]  }
0x6f: {  	v13 =	vld [tilespmem:s22+$0xFFFFFFA0]  }
0x70: {  	s1 =	simm.s32 $0xEBC0;
	v15 =	vld [tilespmem:s22+$0xFFFFFFB0];
	v8 =	vmul.u32 $0x5E, v8  }
0x71: {  	s23 =	simm.s32 $0x2500;
	v16 =	vld [tilespmem:s1+$0xFFFFFFF0];
	v9 =	vmul.u32 $0x5E, v9  }
0x72: {  	v17 =	vld [tilespmem:s23+$0x60];
	v3 =	vadd.s32 v3, v8;
	v8 =	vmul.u32 $0x5E, v10  }
0x73: {  	v14 =	vmul.u32 $0x5E, v14;
	v10 =	vld [tilespmem:s22+$0x0];
	v6 =	vadd.s32 v6, v9;
	v9 =	vmul.u32 $0x5E, v11  }
0x74: {  	v11 =	vld [tilespmem:s1+$0x0];
	v8 =	vadd.s32 v12, v8  }
0x75: {  	v5 =	vadd.s32 v5, v14;
	v14 =	vmul.u32 $0x5E, v15;
	v15 =	vld [tilespmem:s1+$0xFFFFFFD0];
	v2 =	vadd.s32 v2, v9  }
0x76: {  	v12 =	vld [tilespmem:s1+$0x20]  }
0x77: {  	v3 =	vld.idx.msk [tilespmem:v3+s2+$0x0], $0xffff  }
0x78: {  	v1 =	vmul.u32 $0x5E, v1;
	v9 =	vld [tilespmem:s1+$0x30]  }
0x79: {  	v8 =	vld.idx.msk [tilespmem:v8+s2+$0x0], $0xffff  }
0x7a: {  	v13 =	vmul.u32 $0x5E, v13;
	v1 =	vadd.s32 v10, v1;
	v2 =	vld.idx.msk [tilespmem:v2+s2+$0x0], $0xffff  }
0x7b: {  	v4 =	vadd.s32 v4, v14;
	v6 =	vld.idx.msk [tilespmem:v6+s2+$0x0], $0xffff  }
0x7c: {  	v7 =	vadd.s32 v7, v13;
	v13 =	vld [tilespmem:s1+$0x10];
	v3 =	vmul.f32 v3, v11  }
0x7d: {  	v10 =	vld [tilespmem:s1+$0xFFFFFFC0]  }
0x7e: {  	v5 =	vld.idx.msk [tilespmem:v5+s2+$0x0], $0xffff;
	v3 =	vadd.f32 $1.000000000e+00, v3;
	v8 =	vmul.f32 v8, v9  }
0x7f: {  	v1 =	vld.idx.msk [tilespmem:v1+s2+$0x0], $0xffff;
	v2 =	vmul.f32 v2, v12  }
0x80: {  	v4 =	vld.idx.msk [tilespmem:v4+s2+$0x0], $0xffff;
	(erf) = vrcp.f32 v3;
	v3 =	vmul.f32 v6, v15;
	v6 =	vadd.f32 $1.000000000e+00, v8  }
0x81: {  	v14 =	vld [tilespmem:s1+$0xFFFFFFE0];
	v2 =	vadd.f32 $1.000000000e+00, v2  }
0x82: {  	(erf) = vrcp.f32 v6;
	v6 =	vld.idx.msk [tilespmem:v7+s2+$0x0], $0xffff  }
0x83: {  	v18 =	vld [tilespmem:s23+$0x30];
	v3 =	vadd.f32 $1.000000000e+00, v3;
	(erf) = vrcp.f32 v2;
	v2 =	vmul.f32 v5, v13  }
0x84: {  	v19 =	vld [tilespmem:s23+$0x70];
	v1 =	vmul.f32 v1, v10  }
0x85: {  	v21 =	vld [tilespmem:s23+$0xFFFFFFA0];
	(erf) = vrcp.f32 v3;
	v3 =	vmul.f32 v4, v16;
	v2 =	vadd.f32 $1.000000000e+00, v2  }
0x86: {  	v23 =	vld [tilespmem:s23+$0xFFFFFFD0];
	v1 =	vadd.f32 $1.000000000e+00, v1  }
0x87: {  	v24 =	vld [tilespmem:s23+$0xFFFFFFC0];
	v3 =	vadd.f32 $1.000000000e+00, v3;
	v6 =	vmul.f32 v6, v14;
	(erf) = vrcp.f32 v2  }
0x88: {  	v5 =	vld [tilespmem:s23+$0xFFFFFF80]  }
0x89: {  	v7 =	vld [tilespmem:s23+$0x50];
	(erf) = vrcp.f32 v1;
	v2 =	vpop (erf);
	v6 =	vadd.f32 $1.000000000e+00, v6  }
0x8a: {  	vm0 =	vgt.s32 v0, $0x0;
	v28 =	vld [tilespmem:s23+$0x0];
	(erf) = vrcp.f32 v3;
	v1 =	vmul.f32 v2, v11  }
0x8b: {  	v26 =	vld [tilespmem:s23+$0xFFFFFFB0];
	v21 =	vmul.u32 $0x5E, v21;
	v20 =	vmul.f32 v2, v2;
	v3 =	vpop (erf);
	(erf) = vrcp.f32 v6  }
0x8c: {  	v23 =	vmul.u32 $0x5E, v23;
	v4 =	vld [tilespmem:s23+$0x40];
	v1 =	vmul.f32 v1, v1;
	v2 =	vmul.f32 v3, v9  }
0x8d: {  	v29 =	vmul.u32 $0x5E, v5;
	v5 =	vld [tilespmem:s23+$0xFFFFFFF0];
	v0 =	vmul.f32 v3, v3;
	v20 =	vmul.f32 v20, v20;
	v6 =	vpop (erf)  }
0x8e: {  	v23 =	vadd.s32 v7, v23;
	v11 =	vld [tilespmem:s23+$0x20];
	v9 =	vpop (erf);
	v22 =	vmul.f32 v1, v1;
	v12 =	vmul.f32 v6, v12  }
0x8f: {  	s1 =	simm.s32 $0xEC40;
	v8 =	vld [tilespmem:s23+$0x10];
	v28 =	vadd.s32 v28, v29;
	v15 =	vmul.f32 v9, v15;
	v9 =	vmul.f32 v9, v9  }
0x90: {  	v26 =	vmul.u32 $0x5E, v26;
	v7 =	vld [tilespmem:s1+$0x20];
	v6 =	vmul.f32 v6, v6;
	v25 =	vmul.f32 v2, v2;
	v3 =	vpop (erf)  }
0x91: {  	v30 =	vmul.f32 v3, v13;
	v31 =	vmul.f32 v9, v9;
	v9 =	vmul.u32 $0x5E, v24;
	v13 =	vld [tilespmem:s23+$0xFFFFFFE0]  }
0x92: {  	v34 =	vmul.u32 $0x5E, v5;
	v20 =	vmul.f32 v20, v20;
	v2 =	vmul.f32 v15, v15;
	v15 =	vld [tilespmem:s23+$0xFFFFFF90]  }
0x93: {  	v23 =	vld.idx.msk [tilespmem:v23+s2+$0x0], $0xffff;
	v11 =	vadd.s32 v11, v21;
	v27 =	vmul.f32 v25, v25;
	v4 =	vadd.s32 v4, v9  }
0x94: {  	v28 =	vld.idx.msk [tilespmem:v28+s2+$0x0], $0xffff;
	v1 =	vsel vm0, v1, v22;
	v6 =	vmul.f32 v6, v6;
	v12 =	vmul.f32 v12, v12;
	v55 =	vpop (erf)  }
0x95: {  	v19 =	vadd.s32 v19, v34;
	v22 =	vmul.f32 v1, v22;
	v33 =	vmul.f32 v55, v10;
	v10 =	vld [tilespmem:s1+$0x0]  }
0x96: {  	v24 =	vmul.f32 v55, v55;
	v57 =	vmul.f32 v6, v6;
	v6 =	vld [tilespmem:s1+$0x10];
	v13 =	vmul.u32 $0x5E, v13  }
0x97: {  	v56 =	vmul.f32 v12, v12;
	v35 =	vpop (erf);
	v1 =	vmul.f32 v2, v2;
	v9 =	vld [tilespmem:s1+$0x30];
	v15 =	vmul.u32 $0x5E, v15  }
0x98: {  	v58 =	vmul.f32 v35, v35;
	v60 =	vmul.f32 v31, v31;
	v4 =	vld.idx.msk [tilespmem:v4+s2+$0x0], $0xffff;
	v36 =	vadd.s32 v17, v13  }
0x99: {  	v20 =	vmul.f32 v22, v20;
	v12 =	vsel vm0, v12, v56;
	v11 =	vld.idx.msk [tilespmem:v11+s2+$0x0], $0xffff;
	v15 =	vadd.s32 v8, v15  }
0x9a: {  	v5 =	vmul.f32 v33, v33;
	v37 =	vpop (erf);
	v32 =	vsel vm0, v2, v1;
	v2 =	vld [tilespmem:s1+$0xFFFFFFC0];
	v12 =	vmul.f32 v12, v56  }
0x9b: {  	v21 =	vmul.f32 v37, v14;
	v14 =	vmul.f32 v35, v16;
	v16 =	vadd.s32 v18, v26;
	v18 =	vld.idx.msk [tilespmem:v19+s2+$0x0], $0xffff  }
0x9c: {  	v19 =	vmul.f32 v37, v37;
	v32 =	vmul.f32 v32, v1;
	v13 =	vld [tilespmem:s1+$0xFFFFFFD0]  }
0x9d: {  	v21 =	vmul.f32 v21, v21;
	v59 =	vld.idx.msk [tilespmem:v36+s2+$0x0], $0xffff;
	v4 =	vmul.f32 v4, v10  }
0x9e: {  	v23 =	vmul.f32 v23, v6;
	v19 =	vmul.f32 v19, v19;
	v15 =	vld.idx.msk [tilespmem:v15+s2+$0x0], $0xffff  }
0x9f: {  	v1 =	vld [tilespmem:s1+$0xFFFFFFE0];
	v12 =	vmul.f32 v12, v57;
	v8 =	vmul.f32 v24, v24;
	v62 =	vadd.f32 $1.000000000e+00, v4  }
0xa0: {  	v22 =	vmul.f32 v32, v60;
	v61 =	vmul.f32 v21, v21;
	v16 =	vld.idx.msk [tilespmem:v16+s2+$0x0], $0xffff  }
0xa1: {  	v18 =	vmul.f32 v18, v9;
	v4 =	vld [tilespmem:s1+$0xFFFFFFF0];
	(erf) = vrcp.f32 v62  }
0xa2: {  	v19 =	vmul.f32 v19, v19;
	v21 =	vsel vm0, v21, v61;
	v26 =	vmul.f32 v59, v7  }
0xa3: {  	v21 =	vmul.f32 v21, v61;
	v18 =	vadd.f32 $1.000000000e+00, v18;
	v15 =	vmul.f32 v15, v13  }
0xa4: {  	v28 =	vmul.f32 v28, v2;
	v63 =	vmul.f32 v11, v1;
	v11 =	vadd.f32 $1.000000000e+00, v26  }
0xa5: {  	(erf) = vrcp.f32 v18;
	v18 =	vmul.f32 v21, v19;
	v15 =	vadd.f32 $1.000000000e+00, v15  }
0xa6: {  	s0 =	simm.s32 $0x14FC0;
	v19 =	vadd.f32 $1.000000000e+00, v23;
	v16 =	vmul.f32 v16, v4;
	(erf) = vrcp.f32 v11  }
0xa7: {  	[tilespmem:s0+$0x0] =	vst v20;
	v11 =	vadd.f32 $1.000000000e+00, v28;
	(erf) = vrcp.f32 v15;
	v15 =	vmul.f32 v30, v30  }
0xa8: {  	v17 =	vmul.f32 v58, v58;
	[tilespmem:s0+$0x20] =	vst v12;
	v16 =	vadd.f32 $1.000000000e+00, v16;
	(erf) = vrcp.f32 v19  }
0xa9: {  	[tilespmem:s0+$0xFFFFFFD0] =	vst v22;
	v19 =	vsel vm0, v25, v27;
	(erf) = vrcp.f32 v11;
	v11 =	vmul.f32 v15, v15  }
0xaa: {  	s21 =	simm.s32 $0x14FC0;
	s22 =	simm.s32 $0x8;
	s23 =	simm.s32 $0x2600;
	v22 =	vadd.f32 $1.000000000e+00, v63;
	[tilespmem:s0+$0xFFFFFFE0] =	vst v18;
	v12 =	vmul.f32 v19, v27;
	(erf) = vrcp.f32 v16;
	v20 =	vpop (erf)  }
.LBB2_2:
0xab: {  	v16 =	vld [tilespmem:s23+$0xFFFFFF80];
	s22 =	sadd.s32 $0x8, s22;
	v10 =	vmul.f32 v20, v10;
	s1 =	sadd.s32 $0x80, s1;
	v19 =	vmul.f32 v17, v17;
	s0 =	sadd.s32 $0x80, s0  }
0xac: {  	v26 =	vmul.f32 v3, v3;
	v21 =	vld [tilespmem:s1+$0xFFFFFFF0];
	p1 =	slt.u32 s22, $0x318;
	(erf) = vrcp.f32 v22  }
0xad: {  	v22 =	vmul.f32 v14, v14;
	v17 =	vld [tilespmem:s23+$0x60];
	v10 =	vmul.f32 v10, v10  }
0xae: {  	v23 =	vmul.f32 v20, v20;
	v24 =	vmul.f32 v26, v26;
	v14 =	vld [tilespmem:s23+$0x40];
	v18 =	vpop (erf)  }
0xaf: {  	v26 =	vmul.f32 v8, v8;
	v25 =	vld [tilespmem:s23+$0x30];
	v9 =	vmul.f32 v18, v9;
	v3 =	vpop (erf)  }
0xb0: {  	v8 =	vmul.f32 v10, v10;
	v27 =	vmul.u32 $0x5E, v16;
	v28 =	vld [tilespmem:s23+$0x50];
	v7 =	vmul.f32 v3, v7;
	v16 =	vpop (erf)  }
0xb1: {  	v30 =	vmul.f32 v3, v3;
	v29 =	vld [tilespmem:s23+$0x10];
	v13 =	vmul.f32 v16, v13;
	v3 =	vpop (erf)  }
0xb2: {  	v20 =	vmul.f32 v5, v5;
	v10 =	vsel vm0, v10, v8;
	v9 =	vmul.f32 v9, v9;
	v31 =	vld [tilespmem:s23+$0x20];
	v32 =	vpop (erf)  }
0xb3: {  	v34 =	vmul.f32 v18, v18;
	v33 =	vld [tilespmem:s23+$0x70];
	v13 =	vmul.f32 v13, v13;
	v35 =	vpop (erf)  }
0xb4: {  	v5 =	vsel vm0, v5, v20;
	v37 =	vmul.f32 v16, v16;
	v38 =	vmul.f32 v10, v8;
	v36 =	vld [tilespmem:s23+$0xFFFFFFA0]  }
0xb5: {  	v40 =	vmul.f32 v5, v20;
	v16 =	vmul.f32 v9, v9;
	v8 =	vld [tilespmem:s23+$0xFFFFFFD0];
	v39 =	vpop (erf)  }
0xb6: {  	v20 =	vmul.f32 v3, v6;
	v10 =	vmul.f32 v13, v13;
	v5 =	vld [tilespmem:s23+$0xFFFFFFC0]  }
0xb7: {  	v24 =	vmul.f32 v24, v24;
	v30 =	vmul.f32 v30, v30;
	v18 =	vsel vm0, v9, v16;
	v6 =	vld [tilespmem:s23+$0xFFFFFF90]  }
0xb8: {  	v42 =	vmul.f32 v22, v22;
	v37 =	vmul.f32 v37, v37;
	v9 =	vsel vm0, v13, v10;
	v41 =	vld [tilespmem:s23+$0xFFFFFFB0]  }
0xb9: {  	v43 =	vmul.f32 v7, v7;
	v2 =	vmul.f32 v32, v2;
	v13 =	vld [tilespmem:s23+$0x0];
	v36 =	vmul.u32 $0x5E, v36  }
0xba: {  	v15 =	vsel vm0, v15, v11;
	v7 =	vmul.f32 v32, v32;
	v32 =	vmul.f32 v9, v10;
	v44 =	vld [tilespmem:s23+$0xFFFFFFF0]  }
0xbb: {  	v45 =	vmul.u32 $0x5E, v8;
	v9 =	vmul.u32 $0x5E, v5;
	v46 =	vld [tilespmem:s23+$0xFFFFFFE0];
	v5 =	vmul.f32 v2, v2  }
0xbc: {  	v47 =	vmul.f32 v43, v43;
	v8 =	vmul.f32 v7, v7;
	v2 =	vld [tilespmem:s1+$0xFFFFFFC0];
	v6 =	vmul.u32 $0x5E, v6  }
0xbd: {  	v30 =	vmul.f32 v30, v30;
	v28 =	vadd.s32 v28, v45;
	v10 =	vld [tilespmem:s1+$0x0];
	v14 =	vadd.s32 v14, v9  }
0xbe: {  	v29 =	vadd.s32 v29, v6;
	v7 =	vld [tilespmem:s1+$0x20];
	v6 =	vsel vm0, v43, v47;
	v43 =	vmul.f32 v0, v0;
	v0 =	vmovc v34  }
0xbf: {  	v9 =	vld [tilespmem:s1+$0x30];
	v34 =	vmul.u32 $0x5E, v44;
	v44 =	vmul.f32 v35, v35;
	v45 =	vmul.f32 v6, v47  }
0xc0: {  	v26 =	vmul.f32 v40, v26;
	v41 =	vmul.u32 $0x5E, v41;
	v47 =	vld [tilespmem:s1+$0xFFFFFFE0];
	v46 =	vmul.u32 $0x5E, v46  }
0xc1: {  	v31 =	vadd.s32 v31, v36;
	v6 =	vld [tilespmem:s1+$0x10];
	v33 =	vadd.s32 v33, v34;
	v34 =	vmul.f32 v43, v43  }
0xc2: {  	v23 =	vmul.f32 v23, v23;
	v25 =	vadd.s32 v25, v41;
	v36 =	vld.idx.msk [tilespmem:v14+s2+$0x0], $0xffff;
	v40 =	vadd.s32 v17, v46  }
0xc3: {  	v11 =	vmul.f32 v15, v11;
	v27 =	vadd.s32 v13, v27;
	v14 =	vmul.f32 v35, v4;
	v28 =	vld.idx.msk [tilespmem:v28+s2+$0x0], $0xffff  }
0xc4: {  	v17 =	vmul.f32 v44, v44;
	v12 =	vmul.f32 v12, v34;
	v15 =	vld.idx.msk [tilespmem:v29+s2+$0x0], $0xffff;
	v29 =	vsel vm0, v22, v42  }
0xc5: {  	v4 =	vmovc v21;
	v22 =	vmul.f32 v39, v1;
	v13 =	vld [tilespmem:s1+$0xFFFFFFD0];
	[tilespmem:s21+$0xFFFFFFC0] =	vst v26;
	v26 =	vmul.f32 v29, v42;
	v1 =	vmov v47  }
0xc6: {  	v11 =	vmul.f32 v11, v24;
	v29 =	vmul.f32 v39, v39;
	v21 =	vld.idx.msk [tilespmem:v33+s2+$0x0], $0xffff  }
0xc7: {  	v22 =	vmul.f32 v22, v22;
	v24 =	vld.idx.msk [tilespmem:v40+s2+$0x0], $0xffff;
	v19 =	vmul.f32 v26, v19;
	[tilespmem:s21+$0x30] =	vst v12  }
0xc8: {  	v23 =	vmul.f32 v23, v23;
	v26 =	vmul.f32 v36, v10;
	v12 =	vld.idx.msk [tilespmem:v27+s2+$0x0], $0xffff;
	[tilespmem:s21+$0x10] =	vst v11  }
0xc9: {  	v27 =	vmul.f32 v37, v37;
	v11 =	vld.idx.msk [tilespmem:v31+s2+$0x0], $0xffff;
	v31 =	vmul.f32 v22, v22;
	[tilespmem:s21+$0xFFFFFFF0] =	vst v19;
	s21 =	smov.u32 s0  }
0xca: {  	v23 =	vmul.f32 v38, v23;
	v19 =	vadd.f32 $1.000000000e+00, v26;
	v26 =	vmul.f32 v28, v6  }
0xcb: {  	v28 =	vmul.f32 v29, v29;
	v27 =	vmul.f32 v32, v27;
	v25 =	vld.idx.msk [tilespmem:v25+s2+$0x0], $0xffff  }
0xcc: {  	v21 =	vmul.f32 v21, v9;
	(erf) = vrcp.f32 v19;
	v19 =	vsel vm0, v22, v31;
	[tilespmem:s0+$0x0] =	vst v23  }
0xcd: {  	v23 =	vadd.f32 $1.000000000e+00, v26;
	v22 =	vmul.f32 v24, v7;
	[tilespmem:s0+$0xFFFFFFD0] =	vst v27;
	v19 =	vmul.f32 v19, v31  }
0xce: {  	v15 =	vmul.f32 v15, v13;
	v24 =	vmul.f32 v28, v28;
	v21 =	vadd.f32 $1.000000000e+00, v21  }
0xcf: {  	v12 =	vmul.f32 v12, v2;
	v11 =	vmul.f32 v11, v1;
	v22 =	vadd.f32 $1.000000000e+00, v22  }
0xd0: {  	v15 =	vadd.f32 $1.000000000e+00, v15;
	v19 =	vmul.f32 v19, v24;
	(erf) = vrcp.f32 v21  }
.Ltmp2:
0xd1: {  	v12 =	vadd.f32 $1.000000000e+00, v12;
	v21 =	vmul.f32 v25, v4;
	(erf) = vrcp.f32 v22;
	(pc) =	sbr.rel @p1 .LBB2_2-.Ltmp2, $4  }
0xd2: {  	v22 =	vadd.f32 $1.000000000e+00, v11;
	(erf) = vrcp.f32 v15;
	[tilespmem:s0+$0xFFFFFFE0] =	vst v19;
	v15 =	vmul.f32 v20, v20  }
0xd3: {  	v19 =	vadd.f32 $1.000000000e+00, v21;
	v21 =	vmul.f32 v45, v30;
	(erf) = vrcp.f32 v23  }
0xd4: {  	(erf) = vrcp.f32 v12;
	v11 =	vmul.f32 v15, v15  }
0xd5: {  	s23 =	sadd.s32 $0x100, s23;
	v12 =	vmul.f32 v18, v16;
	(erf) = vrcp.f32 v19;
	v20 =	vpop (erf);
	[tilespmem:s0+$0x20] =	vst v21  }
0xd6: {  	v10 =	vmul.f32 v20, v10;
	v16 =	vmul.f32 v17, v17  }
0xd7: {  	(erf) = vrcp.f32 v22;
	v3 =	vmul.f32 v3, v3  }
0xd8: {  	v14 =	vmul.f32 v14, v14;
	v17 =	vmul.f32 v20, v20  }
0xd9: {  	v8 =	vmul.f32 v8, v8;
	v22 =	vmul.f32 v5, v5;
	v15 =	vsel vm0, v15, v11  }
0xda: {  	v0 =	vmul.f32 v0, v0;
	v11 =	vmul.f32 v15, v11  }
0xdb: {  	v10 =	vmul.f32 v10, v10;
	v3 =	vmul.f32 v3, v3  }
0xdc: {  	v5 =	vsel vm0, v5, v22;
	v25 =	vmul.f32 v14, v14;
	v0 =	vmul.f32 v0, v0  }
0xdd: {  	v17 =	vmul.f32 v17, v17;
	v18 =	vpop (erf);
	v5 =	vmul.f32 v5, v22  }
0xde: {  	v9 =	vmul.f32 v18, v9;
	v20 =	vmul.f32 v10, v10  }
0xdf: {  	v19 =	vpop (erf);
	v18 =	vmul.f32 v18, v18;
	v3 =	vmul.f32 v3, v3  }
0xe0: {  	v0 =	vmul.f32 v12, v0;
	v7 =	vmul.f32 v19, v7  }
0xe1: {  	v14 =	vsel vm0, v14, v25;
	v19 =	vmul.f32 v19, v19;
	v5 =	vmul.f32 v5, v8  }
0xe2: {  	v21 =	vpop (erf);
	v12 =	vmul.f32 v14, v25;
	v14 =	vmul.f32 v17, v17  }
0xe3: {  	v13 =	vmul.f32 v21, v13;
	v9 =	vmul.f32 v9, v9  }
0xe4: {  	v10 =	vsel vm0, v10, v20;
	v21 =	vmul.f32 v21, v21;
	v3 =	vmul.f32 v11, v3  }
0xe5: {  	v10 =	vmul.f32 v10, v20;
	v19 =	vmul.f32 v19, v19  }
0xe6: {  	v7 =	vmul.f32 v7, v7;
	v12 =	vmul.f32 v12, v16  }
0xe7: {  	v13 =	vmul.f32 v13, v13;
	v20 =	vpop (erf);
	v23 =	vmul.f32 v9, v9  }
0xe8: {  	v21 =	vmul.f32 v21, v21;
	v6 =	vmul.f32 v20, v6  }
0xe9: {  	v19 =	vmul.f32 v19, v19;
	v10 =	vmul.f32 v10, v14  }
0xea: {  	v24 =	vpop (erf);
	[tilespmem:s21+$0xFFFFFFF0] =	vst v12;
	v12 =	vmul.f32 v18, v18;
	v22 =	vmul.f32 v13, v13  }
0xeb: {  	v2 =	vmul.f32 v24, v2;
	v24 =	vmul.f32 v24, v24;
	v26 =	vpop (erf)  }
0xec: {  	v16 =	vmul.f32 v21, v21;
	v27 =	vmul.f32 v26, v26  }
0xed: {  	v8 =	vpop (erf);
	v4 =	vmul.f32 v26, v4;
	v6 =	vmul.f32 v6, v6  }
0xee: {  	v2 =	vmul.f32 v2, v2;
	v1 =	vmul.f32 v8, v1  }
0xef: {  	v13 =	vsel vm0, v13, v22;
	v24 =	vmul.f32 v24, v24;
	v8 =	vmul.f32 v8, v8  }
0xf0: {  	v13 =	vmul.f32 v13, v22;
	v1 =	vmul.f32 v1, v1  }
0xf1: {  	[tilespmem:s21+$0x10] =	vst v3;
	v22 =	vmul.f32 v7, v7;
	v3 =	vmul.f32 v4, v4  }
0xf2: {  	s0 =	sadd.s32 $0x80, s0;
	v15 =	vmul.f32 v27, v27;
	v11 =	vmul.f32 v1, v1  }
0xf3: {  	[tilespmem:s0+$0x0] =	vst v10;
	v8 =	vmul.f32 v8, v8;
	v7 =	vsel vm0, v7, v22;
	v10 =	vmul.f32 v3, v3  }
0xf4: {  	[tilespmem:s21+$0x30] =	vst v0;
	v0 =	vmul.f32 v15, v15;
	v7 =	vmul.f32 v7, v22;
	v1 =	vsel vm0, v1, v11  }
0xf5: {  	v8 =	vmul.f32 v8, v8;
	v3 =	vsel vm0, v3, v10;
	v1 =	vmul.f32 v1, v11  }
0xf6: {  	v3 =	vmul.f32 v3, v10;
	v11 =	vmul.f32 v13, v16  }
0xf7: {  	v13 =	vmul.f32 v2, v2;
	v1 =	vmul.f32 v1, v8;
	v8 =	vsel vm0, v9, v23  }
0xf8: {  	[tilespmem:s21+$0xFFFFFFC0] =	vst v5;
	v5 =	vmul.f32 v8, v23;
	v8 =	vmul.f32 v20, v20  }
0xf9: {  	v7 =	vmul.f32 v7, v19;
	v0 =	vmul.f32 v3, v0  }
0xfa: {  	v9 =	vmul.f32 v6, v6;
	v2 =	vsel vm0, v2, v13;
	v4 =	vmul.f32 v8, v8  }
0xfb: {  	[tilespmem:s0+$0x20] =	vst v7;
	v2 =	vmul.f32 v2, v13;
	v8 =	vmul.f32 v24, v24  }
0xfc: {  	[tilespmem:s0+$0xFFFFFFD0] =	vst v11;
	v11 =	vmul.f32 v12, v12;
	v6 =	vsel vm0, v6, v9;
	v4 =	vmul.f32 v4, v4  }
0xfd: {  	[tilespmem:s0+$0xFFFFFFE0] =	vst v1;
	v1 =	vmul.f32 v2, v8;
	v2 =	vmul.f32 v6, v9  }
0xfe: {  	[tilespmem:s0+$0xFFFFFFF0] =	vst v0;
	v5 =	vmul.f32 v5, v11  }
0xff: {  	[tilespmem:s0+$0xFFFFFFC0] =	vst v1;
	v1 =	vmul.f32 v2, v4  }
0x100: {  	[tilespmem:s0+$0x30] =	vst v5  }
0x101: {  	[tilespmem:s0+$0x10] =	vst v1  }
0x102: {  	[hbm4b:s9+s2] =	stream.linear.scatter [tilespmem:s25], [sflag:$0x3], $0x3200, $0x38;
	[tilespmem:$0x1B380] =	vst v63  }
0x103: {  	_ = 	snop  }
0x104: {  	[tilespmem:s18], [sflag:$0x1] =	stream.linear.gather [hbm4b:s10+s2], $0x6400, $0x38;
	[tilespmem:$0x1B380] =	vst v63  }
0x105: {  	_ = 	snop  }
0x106: {  	[tilespmem:s19], [sflag:$0x1] =	stream.linear.gather [hbm4b:s11+s2], $0x3200, $0x38;
	[tilespmem:$0x1B380] =	vst v63  }
0x107: {  	_ =	swait.ge [sflag:s26], $0x6400  }
0x108: {  	[sflag:s26] =	ssyncset.done $0x0  }
0x109: {  	[sflag:s26] =	ssyncadd.s32 $0xFFFF9C00  }
0x10a: {  	_ =	swait.ge [sflag:s26], $0x3200  }
0x10b: {  	[sflag:s26] =	ssyncset.done $0x0  }
0x10c: {  	s22 =	simm.s32 $0x8800;
	[sflag:s26] =	ssyncadd.s32 $0xFFFFCE00  }
0x10d: {  	v0 =	vld [tilespmem:s22+$0xFFFFFF80]  }
0x10e: {  	v1 =	vld [tilespmem:s22+$0x60]  }
0x10f: {  	v2 =	vld [tilespmem:s22+$0x40]  }
0x110: {  	v3 =	vld [tilespmem:s22+$0x30]  }
0x111: {  	v4 =	vld [tilespmem:s22+$0x50]  }
0x112: {  	v5 =	vld [tilespmem:s22+$0x10]  }
0x113: {  	v6 =	vld [tilespmem:s22+$0x20]  }
0x114: {  	v7 =	vld [tilespmem:s22+$0xFFFFFFC0]  }
0x115: {  	v8 =	vld [tilespmem:s22+$0xFFFFFF90]  }
0x116: {  	v9 =	vld [tilespmem:s22+$0xFFFFFFF0]  }
0x117: {  	v10 =	vld [tilespmem:s22+$0xFFFFFFE0]  }
0x118: {  	v13 =	vld [tilespmem:s22+$0xFFFFFFD0]  }
0x119: {  	v11 =	vld [tilespmem:s22+$0x70]  }
0x11a: {  	v14 =	vld [tilespmem:s22+$0xFFFFFFB0];
	v7 =	vmul.u32 $0x5E, v7  }
0x11b: {  	s1 =	simm.s32 $0x11DC0;
	v12 =	vld [tilespmem:s22+$0xFFFFFFA0];
	v8 =	vmul.u32 $0x5E, v8  }
0x11c: {  	v15 =	vld [tilespmem:s1+$0xFFFFFFF0];
	v2 =	vadd.s32 v2, v7;
	v7 =	vmul.u32 $0x5E, v9  }
0x11d: {  	v13 =	vmul.u32 $0x5E, v13;
	v9 =	vld [tilespmem:s22+$0x0];
	v5 =	vadd.s32 v5, v8;
	v8 =	vmul.u32 $0x5E, v10  }
0x11e: {  	v10 =	vld [tilespmem:s1+$0x0];
	v7 =	vadd.s32 v11, v7  }
0x11f: {  	v4 =	vadd.s32 v4, v13;
	v13 =	vmul.u32 $0x5E, v14;
	v14 =	vld [tilespmem:s1+$0xFFFFFFD0];
	v1 =	vadd.s32 v1, v8  }
0x120: {  	v11 =	vld [tilespmem:s1+$0x20]  }
0x121: {  	v2 =	vld.idx.msk [tilespmem:v2+s2+$0x0], $0xffff  }
0x122: {  	v8 =	vld [tilespmem:s1+$0x30]  }
0x123: {  	v7 =	vld.idx.msk [tilespmem:v7+s2+$0x0], $0xffff  }
0x124: {  	v0 =	vmul.u32 $0x5E, v0;
	v12 =	vmul.u32 $0x5E, v12;
	v1 =	vld.idx.msk [tilespmem:v1+s2+$0x0], $0xffff  }
0x125: {  	v3 =	vadd.s32 v3, v13;
	v5 =	vld.idx.msk [tilespmem:v5+s2+$0x0], $0xffff  }
0x126: {  	v6 =	vadd.s32 v6, v12;
	v12 =	vld [tilespmem:s1+$0x10];
	v0 =	vadd.s32 v9, v0;
	v2 =	vmul.f32 v2, v10  }
0x127: {  	v13 =	vld [tilespmem:s1+$0xFFFFFFE0]  }
0x128: {  	v9 =	vld [tilespmem:s1+$0xFFFFFFC0];
	v2 =	vadd.f32 $1.000000000e+00, v2;
	v7 =	vmul.f32 v7, v8  }
0x129: {  	v4 =	vld.idx.msk [tilespmem:v4+s2+$0x0], $0xffff;
	v1 =	vmul.f32 v1, v11  }
0x12a: {  	v3 =	vld.idx.msk [tilespmem:v3+s2+$0x0], $0xffff;
	(erf) = vrcp.f32 v2;
	v2 =	vmul.f32 v5, v14;
	v5 =	vadd.f32 $1.000000000e+00, v7  }
0x12b: {  	v0 =	vld.idx.msk [tilespmem:v0+s2+$0x0], $0xffff  }
0x12c: {  	v1 =	vadd.f32 $1.000000000e+00, v1;
	(erf) = vrcp.f32 v5;
	v5 =	vld.idx.msk [tilespmem:v6+s2+$0x0], $0xffff  }
0x12d: {  	v2 =	vadd.f32 $1.000000000e+00, v2  }
0x12e: {  	s23 =	simm.s32 $0x8900;
	(erf) = vrcp.f32 v1  }
0x12f: {  	v16 =	vld [tilespmem:s23+$0x30];
	v1 =	vmul.f32 v4, v12;
	(erf) = vrcp.f32 v2  }
0x130: {  	v17 =	vld [tilespmem:s23+$0x10];
	v3 =	vmul.f32 v3, v15  }
0x131: {  	v18 =	vld [tilespmem:s23+$0x20];
	v0 =	vmul.f32 v0, v9;
	v1 =	vadd.f32 $1.000000000e+00, v1;
	v5 =	vmul.f32 v5, v13  }
0x132: {  	v19 =	vld [tilespmem:s23+$0x70];
	v3 =	vadd.f32 $1.000000000e+00, v3  }
0x133: {  	v22 =	vld [tilespmem:s23+$0xFFFFFFD0];
	v0 =	vadd.f32 $1.000000000e+00, v0;
	v5 =	vadd.f32 $1.000000000e+00, v5  }
0x134: {  	v23 =	vld [tilespmem:s23+$0xFFFFFFC0];
	(erf) = vrcp.f32 v1  }
0x135: {  	v2 =	vld [tilespmem:s23+$0xFFFFFF80];
	(erf) = vrcp.f32 v0;
	v1 =	vpop (erf)  }
0x136: {  	v7 =	vld [tilespmem:s23+$0x50];
	(erf) = vrcp.f32 v3;
	v0 =	vmul.f32 v1, v10;
	v3 =	vpop (erf)  }
0x137: {  	v50 =	vld [tilespmem:s23+$0x0];
	v20 =	vmul.f32 v1, v1;
	(erf) = vrcp.f32 v5;
	v5 =	vpop (erf)  }
0x138: {  	v30 =	vld [tilespmem:s23+$0xFFFFFFF0];
	v0 =	vmul.f32 v0, v0;
	v1 =	vmul.f32 v3, v8;
	v8 =	vpop (erf)  }
0x139: {  	v22 =	vmul.u32 $0x5E, v22;
	v6 =	vld [tilespmem:s23+$0x40];
	v14 =	vmul.f32 v8, v14  }
0x13a: {  	v28 =	vmul.u32 $0x5E, v2;
	v10 =	vld [tilespmem:s23+$0xFFFFFFA0];
	v21 =	vmul.f32 v0, v0;
	v11 =	vmul.f32 v5, v11  }
0x13b: {  	v22 =	vadd.s32 v7, v22;
	v46 =	vmul.f32 v1, v1;
	v1 =	vmul.f32 v14, v14;
	v14 =	vld [tilespmem:s23+$0xFFFFFF90]  }
0x13c: {  	v48 =	vld [tilespmem:s23+$0xFFFFFFB0];
	v27 =	vadd.s32 v50, v28;
	v5 =	vmul.f32 v5, v5;
	v8 =	vmul.f32 v8, v8  }
0x13d: {  	v4 =	vld [tilespmem:s23+$0x60];
	v20 =	vmul.f32 v20, v20;
	v47 =	vsel vm0, v0, v21;
	v0 =	vmul.f32 v3, v3  }
0x13e: {  	s1 =	simm.s32 $0x11E40;
	v3 =	vpop (erf);
	v31 =	vmul.f32 v5, v5;
	v5 =	vmul.u32 $0x5E, v23;
	v32 =	vmul.f32 v8, v8;
	v8 =	vld [tilespmem:s23+$0xFFFFFFE0]  }
0x13f: {  	v51 =	vmul.u32 $0x5E, v30;
	v7 =	vld [tilespmem:s1+$0x20];
	v20 =	vmul.f32 v20, v20;
	v33 =	vmul.u32 $0x5E, v10;
	v23 =	vpop (erf)  }
0x140: {  	v2 =	vld [tilespmem:s1+$0xFFFFFFC0];
	v34 =	vmul.f32 v23, v9;
	v9 =	vmul.u32 $0x5E, v14;
	v14 =	vadd.s32 v6, v5  }
0x141: {  	v26 =	vmul.u32 $0x5E, v48;
	v22 =	vld.idx.msk [tilespmem:v22+s2+$0x0], $0xffff;
	v49 =	vmul.f32 v46, v46;
	v11 =	vmul.f32 v11, v11  }
0x142: {  	v10 =	vld [tilespmem:s1+$0x0];
	v21 =	vmul.f32 v47, v21;
	v12 =	vmul.f32 v3, v12;
	v18 =	vadd.s32 v18, v33;
	v35 =	vpop (erf)  }
0x143: {  	v27 =	vld.idx.msk [tilespmem:v27+s2+$0x0], $0xffff;
	v52 =	vmul.f32 v11, v11;
	v29 =	vmul.f32 v1, v1;
	v55 =	vpop (erf);
	v53 =	vmul.u32 $0x5E, v8  }
0x144: {  	v19 =	vadd.s32 v19, v51;
	v31 =	vmul.f32 v31, v31;
	v57 =	vmul.f32 v55, v13;
	v13 =	vld [tilespmem:s1+$0xFFFFFFD0]  }
0x145: {  	v54 =	vmul.f32 v35, v35;
	v1 =	vsel vm0, v1, v29;
	v4 =	vadd.s32 v4, v53;
	v36 =	vld.idx.msk [tilespmem:v14+s2+$0x0], $0xffff  }
0x146: {  	v6 =	vmul.f32 v23, v23;
	v23 =	vmul.f32 v1, v29;
	v1 =	vld [tilespmem:s1+$0xFFFFFFE0];
	v17 =	vadd.s32 v17, v9  }
0x147: {  	v60 =	vmul.f32 v32, v32;
	v20 =	vmul.f32 v21, v20;
	v11 =	vsel vm0, v11, v52;
	v18 =	vld.idx.msk [tilespmem:v18+s2+$0x0], $0xffff  }
0x148: {  	v11 =	vmul.f32 v11, v52;
	v9 =	vld [tilespmem:s1+$0x30];
	v14 =	vmul.f32 v35, v15;
	v15 =	vadd.s32 v16, v26  }
0x149: {  	v27 =	vmul.f32 v27, v2;
	v5 =	vmul.f32 v34, v34;
	v16 =	vld.idx.msk [tilespmem:v19+s2+$0x0], $0xffff  }
0x14a: {  	v58 =	vmul.f32 v57, v57;
	v59 =	vld.idx.msk [tilespmem:v4+s2+$0x0], $0xffff;
	v4 =	vmul.f32 v36, v10  }
0x14b: {  	v8 =	vmul.f32 v6, v6;
	v19 =	vmul.f32 v55, v55;
	v56 =	vld.idx.msk [tilespmem:v17+s2+$0x0], $0xffff  }
0x14c: {  	v6 =	vld [tilespmem:s1+$0x10];
	v21 =	vmul.f32 v23, v60;
	v61 =	vmul.f32 v58, v58;
	v62 =	vadd.f32 $1.000000000e+00, v4  }
0x14d: {  	v18 =	vmul.f32 v18, v1;
	v19 =	vmul.f32 v19, v19;
	v15 =	vld.idx.msk [tilespmem:v15+s2+$0x0], $0xffff  }
0x14e: {  	s0 =	simm.s32 $0x181C0;
	v23 =	vsel vm0, v58, v61;
	v16 =	vmul.f32 v16, v9;
	v4 =	vld [tilespmem:s1+$0xFFFFFFF0];
	(erf) = vrcp.f32 v62  }
0x14f: {  	[tilespmem:s0+$0x0] =	vst v20;
	v20 =	vadd.f32 $1.000000000e+00, v27;
	v23 =	vmul.f32 v23, v61;
	v63 =	vmul.f32 v59, v7  }
0x150: {  	v19 =	vmul.f32 v19, v19;
	v28 =	vmul.f32 v56, v13;
	v16 =	vadd.f32 $1.000000000e+00, v16  }
0x151: {  	v17 =	vmul.f32 v54, v54;
	v22 =	vmul.f32 v22, v6;
	v26 =	vadd.f32 $1.000000000e+00, v63  }
0x152: {  	v28 =	vadd.f32 $1.000000000e+00, v28;
	(erf) = vrcp.f32 v16;
	v16 =	vmul.f32 v23, v19  }
0x153: {  	v19 =	vadd.f32 $1.000000000e+00, v22;
	(erf) = vrcp.f32 v26;
	v22 =	vmul.f32 v15, v4  }
0x154: {  	(erf) = vrcp.f32 v28;
	v15 =	vmul.f32 v12, v12  }
0x155: {  	[tilespmem:s0+$0xFFFFFFD0] =	vst v21;
	(erf) = vrcp.f32 v19;
	v19 =	vmul.f32 v11, v31;
	v12 =	vadd.f32 $1.000000000e+00, v22  }
0x156: {  	v21 =	vsel vm0, v46, v49;
	[tilespmem:s0+$0xFFFFFFE0] =	vst v16;
	(erf) = vrcp.f32 v20;
	v11 =	vmul.f32 v15, v15  }
0x157: {  	s21 =	simm.s32 $0x181C0;
	s22 =	simm.s32 $0x8;
	s23 =	simm.s32 $0x8A00;
	v22 =	vadd.f32 $1.000000000e+00, v18;
	[tilespmem:s0+$0x20] =	vst v19;
	(erf) = vrcp.f32 v12;
	v12 =	vmul.f32 v21, v49;
	v20 =	vpop (erf)  }
.LBB2_4:
0x158: {  	v16 =	vld [tilespmem:s23+$0xFFFFFF80];
	s22 =	sadd.s32 $0x8, s22;
	v10 =	vmul.f32 v20, v10;
	s1 =	sadd.s32 $0x80, s1;
	v19 =	vmul.f32 v17, v17;
	s0 =	sadd.s32 $0x80, s0  }
0x159: {  	v26 =	vmul.f32 v3, v3;
	v21 =	vld [tilespmem:s1+$0xFFFFFFF0];
	p1 =	slt.u32 s22, $0x318;
	(erf) = vrcp.f32 v22  }
0x15a: {  	v22 =	vmul.f32 v14, v14;
	v17 =	vld [tilespmem:s23+$0x60];
	v10 =	vmul.f32 v10, v10  }
0x15b: {  	v23 =	vmul.f32 v20, v20;
	v24 =	vmul.f32 v26, v26;
	v14 =	vld [tilespmem:s23+$0x40];
	v18 =	vpop (erf)  }
0x15c: {  	v26 =	vmul.f32 v8, v8;
	v25 =	vld [tilespmem:s23+$0x30];
	v9 =	vmul.f32 v18, v9;
	v3 =	vpop (erf)  }
0x15d: {  	v8 =	vmul.f32 v10, v10;
	v27 =	vmul.u32 $0x5E, v16;
	v28 =	vld [tilespmem:s23+$0x50];
	v7 =	vmul.f32 v3, v7;
	v16 =	vpop (erf)  }
0x15e: {  	v30 =	vmul.f32 v3, v3;
	v29 =	vld [tilespmem:s23+$0x10];
	v13 =	vmul.f32 v16, v13;
	v3 =	vpop (erf)  }
0x15f: {  	v20 =	vmul.f32 v5, v5;
	v10 =	vsel vm0, v10, v8;
	v9 =	vmul.f32 v9, v9;
	v31 =	vld [tilespmem:s23+$0x20];
	v32 =	vpop (erf)  }
0x160: {  	v34 =	vmul.f32 v18, v18;
	v33 =	vld [tilespmem:s23+$0x70];
	v13 =	vmul.f32 v13, v13;
	v35 =	vpop (erf)  }
0x161: {  	v5 =	vsel vm0, v5, v20;
	v37 =	vmul.f32 v16, v16;
	v38 =	vmul.f32 v10, v8;
	v36 =	vld [tilespmem:s23+$0xFFFFFFA0]  }
0x162: {  	v40 =	vmul.f32 v5, v20;
	v16 =	vmul.f32 v9, v9;
	v8 =	vld [tilespmem:s23+$0xFFFFFFD0];
	v39 =	vpop (erf)  }
0x163: {  	v20 =	vmul.f32 v3, v6;
	v10 =	vmul.f32 v13, v13;
	v5 =	vld [tilespmem:s23+$0xFFFFFFC0]  }
0x164: {  	v24 =	vmul.f32 v24, v24;
	v30 =	vmul.f32 v30, v30;
	v18 =	vsel vm0, v9, v16;
	v6 =	vld [tilespmem:s23+$0xFFFFFF90]  }
0x165: {  	v42 =	vmul.f32 v22, v22;
	v37 =	vmul.f32 v37, v37;
	v9 =	vsel vm0, v13, v10;
	v41 =	vld [tilespmem:s23+$0xFFFFFFB0]  }
0x166: {  	v43 =	vmul.f32 v7, v7;
	v2 =	vmul.f32 v32, v2;
	v13 =	vld [tilespmem:s23+$0x0];
	v36 =	vmul.u32 $0x5E, v36  }
0x167: {  	v15 =	vsel vm0, v15, v11;
	v7 =	vmul.f32 v32, v32;
	v32 =	vmul.f32 v9, v10;
	v44 =	vld [tilespmem:s23+$0xFFFFFFF0]  }
0x168: {  	v45 =	vmul.u32 $0x5E, v8;
	v9 =	vmul.u32 $0x5E, v5;
	v46 =	vld [tilespmem:s23+$0xFFFFFFE0];
	v5 =	vmul.f32 v2, v2  }
0x169: {  	v47 =	vmul.f32 v43, v43;
	v8 =	vmul.f32 v7, v7;
	v2 =	vld [tilespmem:s1+$0xFFFFFFC0];
	v6 =	vmul.u32 $0x5E, v6  }
0x16a: {  	v30 =	vmul.f32 v30, v30;
	v28 =	vadd.s32 v28, v45;
	v10 =	vld [tilespmem:s1+$0x0];
	v14 =	vadd.s32 v14, v9  }
0x16b: {  	v29 =	vadd.s32 v29, v6;
	v7 =	vld [tilespmem:s1+$0x20];
	v6 =	vsel vm0, v43, v47;
	v43 =	vmul.f32 v0, v0;
	v0 =	vmovc v34  }
0x16c: {  	v9 =	vld [tilespmem:s1+$0x30];
	v34 =	vmul.u32 $0x5E, v44;
	v44 =	vmul.f32 v35, v35;
	v45 =	vmul.f32 v6, v47  }
0x16d: {  	v26 =	vmul.f32 v40, v26;
	v41 =	vmul.u32 $0x5E, v41;
	v47 =	vld [tilespmem:s1+$0xFFFFFFE0];
	v46 =	vmul.u32 $0x5E, v46  }
0x16e: {  	v31 =	vadd.s32 v31, v36;
	v6 =	vld [tilespmem:s1+$0x10];
	v33 =	vadd.s32 v33, v34;
	v34 =	vmul.f32 v43, v43  }
0x16f: {  	v23 =	vmul.f32 v23, v23;
	v25 =	vadd.s32 v25, v41;
	v36 =	vld.idx.msk [tilespmem:v14+s2+$0x0], $0xffff;
	v40 =	vadd.s32 v17, v46  }
0x170: {  	v11 =	vmul.f32 v15, v11;
	v27 =	vadd.s32 v13, v27;
	v14 =	vmul.f32 v35, v4;
	v28 =	vld.idx.msk [tilespmem:v28+s2+$0x0], $0xffff  }
0x171: {  	v17 =	vmul.f32 v44, v44;
	v12 =	vmul.f32 v12, v34;
	v15 =	vld.idx.msk [tilespmem:v29+s2+$0x0], $0xffff;
	v29 =	vsel vm0, v22, v42  }
0x172: {  	v4 =	vmovc v21;
	v22 =	vmul.f32 v39, v1;
	v13 =	vld [tilespmem:s1+$0xFFFFFFD0];
	[tilespmem:s21+$0xFFFFFFC0] =	vst v26;
	v26 =	vmul.f32 v29, v42;
	v1 =	vmov v47  }
0x173: {  	v11 =	vmul.f32 v11, v24;
	v29 =	vmul.f32 v39, v39;
	v21 =	vld.idx.msk [tilespmem:v33+s2+$0x0], $0xffff  }
0x174: {  	v22 =	vmul.f32 v22, v22;
	v24 =	vld.idx.msk [tilespmem:v40+s2+$0x0], $0xffff;
	v19 =	vmul.f32 v26, v19;
	[tilespmem:s21+$0x30] =	vst v12  }
0x175: {  	v23 =	vmul.f32 v23, v23;
	v26 =	vmul.f32 v36, v10;
	v12 =	vld.idx.msk [tilespmem:v27+s2+$0x0], $0xffff;
	[tilespmem:s21+$0x10] =	vst v11  }
0x176: {  	v27 =	vmul.f32 v37, v37;
	v11 =	vld.idx.msk [tilespmem:v31+s2+$0x0], $0xffff;
	v31 =	vmul.f32 v22, v22;
	[tilespmem:s21+$0xFFFFFFF0] =	vst v19;
	s21 =	smov.u32 s0  }
0x177: {  	v23 =	vmul.f32 v38, v23;
	v19 =	vadd.f32 $1.000000000e+00, v26;
	v26 =	vmul.f32 v28, v6  }
0x178: {  	v28 =	vmul.f32 v29, v29;
	v27 =	vmul.f32 v32, v27;
	v25 =	vld.idx.msk [tilespmem:v25+s2+$0x0], $0xffff  }
0x179: {  	v21 =	vmul.f32 v21, v9;
	(erf) = vrcp.f32 v19;
	v19 =	vsel vm0, v22, v31;
	[tilespmem:s0+$0x0] =	vst v23  }
0x17a: {  	v23 =	vadd.f32 $1.000000000e+00, v26;
	v22 =	vmul.f32 v24, v7;
	[tilespmem:s0+$0xFFFFFFD0] =	vst v27;
	v19 =	vmul.f32 v19, v31  }
0x17b: {  	v15 =	vmul.f32 v15, v13;
	v24 =	vmul.f32 v28, v28;
	v21 =	vadd.f32 $1.000000000e+00, v21  }
0x17c: {  	v12 =	vmul.f32 v12, v2;
	v11 =	vmul.f32 v11, v1;
	v22 =	vadd.f32 $1.000000000e+00, v22  }
0x17d: {  	v15 =	vadd.f32 $1.000000000e+00, v15;
	v19 =	vmul.f32 v19, v24;
	(erf) = vrcp.f32 v21  }
.Ltmp3:
0x17e: {  	v12 =	vadd.f32 $1.000000000e+00, v12;
	v21 =	vmul.f32 v25, v4;
	(erf) = vrcp.f32 v22;
	(pc) =	sbr.rel @p1 .LBB2_4-.Ltmp3, $4  }
0x17f: {  	v22 =	vadd.f32 $1.000000000e+00, v11;
	(erf) = vrcp.f32 v15;
	[tilespmem:s0+$0xFFFFFFE0] =	vst v19;
	v15 =	vmul.f32 v20, v20  }
0x180: {  	v19 =	vadd.f32 $1.000000000e+00, v21;
	v21 =	vmul.f32 v45, v30;
	(erf) = vrcp.f32 v23  }
0x181: {  	(erf) = vrcp.f32 v12;
	v11 =	vmul.f32 v15, v15  }
0x182: {  	s23 =	sadd.s32 $0x100, s23;
	v12 =	vmul.f32 v18, v16;
	(erf) = vrcp.f32 v19;
	v20 =	vpop (erf);
	[tilespmem:s0+$0x20] =	vst v21  }
0x183: {  	v10 =	vmul.f32 v20, v10;
	v16 =	vmul.f32 v17, v17  }
0x184: {  	(erf) = vrcp.f32 v22;
	v3 =	vmul.f32 v3, v3  }
0x185: {  	v14 =	vmul.f32 v14, v14;
	v17 =	vmul.f32 v20, v20  }
0x186: {  	v8 =	vmul.f32 v8, v8;
	v22 =	vmul.f32 v5, v5;
	v15 =	vsel vm0, v15, v11  }
0x187: {  	v0 =	vmul.f32 v0, v0;
	v11 =	vmul.f32 v15, v11  }
0x188: {  	v10 =	vmul.f32 v10, v10;
	v3 =	vmul.f32 v3, v3  }
0x189: {  	v5 =	vsel vm0, v5, v22;
	v25 =	vmul.f32 v14, v14;
	v0 =	vmul.f32 v0, v0  }
0x18a: {  	v17 =	vmul.f32 v17, v17;
	v18 =	vpop (erf);
	v5 =	vmul.f32 v5, v22  }
0x18b: {  	v9 =	vmul.f32 v18, v9;
	v20 =	vmul.f32 v10, v10  }
0x18c: {  	v19 =	vpop (erf);
	v18 =	vmul.f32 v18, v18;
	v3 =	vmul.f32 v3, v3  }
0x18d: {  	v0 =	vmul.f32 v12, v0;
	v7 =	vmul.f32 v19, v7  }
0x18e: {  	v14 =	vsel vm0, v14, v25;
	v19 =	vmul.f32 v19, v19;
	v5 =	vmul.f32 v5, v8  }
0x18f: {  	v21 =	vpop (erf);
	v12 =	vmul.f32 v14, v25;
	v14 =	vmul.f32 v17, v17  }
0x190: {  	v13 =	vmul.f32 v21, v13;
	v9 =	vmul.f32 v9, v9  }
0x191: {  	v10 =	vsel vm0, v10, v20;
	v21 =	vmul.f32 v21, v21;
	v3 =	vmul.f32 v11, v3  }
0x192: {  	v10 =	vmul.f32 v10, v20;
	v19 =	vmul.f32 v19, v19  }
0x193: {  	v7 =	vmul.f32 v7, v7;
	v12 =	vmul.f32 v12, v16  }
0x194: {  	v13 =	vmul.f32 v13, v13;
	v20 =	vpop (erf);
	v23 =	vmul.f32 v9, v9  }
0x195: {  	v21 =	vmul.f32 v21, v21;
	v6 =	vmul.f32 v20, v6  }
0x196: {  	v19 =	vmul.f32 v19, v19;
	v10 =	vmul.f32 v10, v14  }
0x197: {  	v24 =	vpop (erf);
	[tilespmem:s21+$0xFFFFFFF0] =	vst v12;
	v12 =	vmul.f32 v18, v18;
	v22 =	vmul.f32 v13, v13  }
0x198: {  	v2 =	vmul.f32 v24, v2;
	v24 =	vmul.f32 v24, v24;
	v26 =	vpop (erf)  }
0x199: {  	v16 =	vmul.f32 v21, v21;
	v27 =	vmul.f32 v26, v26  }
0x19a: {  	v8 =	vpop (erf);
	v4 =	vmul.f32 v26, v4;
	v6 =	vmul.f32 v6, v6  }
0x19b: {  	v2 =	vmul.f32 v2, v2;
	v1 =	vmul.f32 v8, v1  }
0x19c: {  	v13 =	vsel vm0, v13, v22;
	v24 =	vmul.f32 v24, v24;
	v8 =	vmul.f32 v8, v8  }
0x19d: {  	v13 =	vmul.f32 v13, v22;
	v1 =	vmul.f32 v1, v1  }
0x19e: {  	[tilespmem:s21+$0x10] =	vst v3;
	v22 =	vmul.f32 v7, v7;
	v3 =	vmul.f32 v4, v4  }
0x19f: {  	s0 =	sadd.s32 $0x80, s0;
	v15 =	vmul.f32 v27, v27;
	v11 =	vmul.f32 v1, v1  }
0x1a0: {  	[tilespmem:s0+$0x0] =	vst v10;
	v8 =	vmul.f32 v8, v8;
	v7 =	vsel vm0, v7, v22;
	v10 =	vmul.f32 v3, v3  }
0x1a1: {  	[tilespmem:s21+$0x30] =	vst v0;
	v0 =	vmul.f32 v15, v15;
	v7 =	vmul.f32 v7, v22;
	v1 =	vsel vm0, v1, v11  }
0x1a2: {  	v8 =	vmul.f32 v8, v8;
	v3 =	vsel vm0, v3, v10;
	v1 =	vmul.f32 v1, v11  }
0x1a3: {  	v3 =	vmul.f32 v3, v10;
	v11 =	vmul.f32 v13, v16  }
0x1a4: {  	v13 =	vmul.f32 v2, v2;
	v1 =	vmul.f32 v1, v8;
	v8 =	vsel vm0, v9, v23  }
0x1a5: {  	[tilespmem:s21+$0xFFFFFFC0] =	vst v5;
	v5 =	vmul.f32 v8, v23;
	v8 =	vmul.f32 v20, v20  }
0x1a6: {  	v7 =	vmul.f32 v7, v19;
	v0 =	vmul.f32 v3, v0  }
0x1a7: {  	v9 =	vmul.f32 v6, v6;
	v2 =	vsel vm0, v2, v13;
	v4 =	vmul.f32 v8, v8  }
0x1a8: {  	[tilespmem:s0+$0x20] =	vst v7;
	v2 =	vmul.f32 v2, v13;
	v8 =	vmul.f32 v24, v24  }
0x1a9: {  	[tilespmem:s0+$0xFFFFFFD0] =	vst v11;
	v11 =	vmul.f32 v12, v12;
	v6 =	vsel vm0, v6, v9;
	v4 =	vmul.f32 v4, v4  }
0x1aa: {  	[tilespmem:s0+$0xFFFFFFE0] =	vst v1;
	v1 =	vmul.f32 v2, v8;
	v2 =	vmul.f32 v6, v9  }
0x1ab: {  	[tilespmem:s0+$0xFFFFFFF0] =	vst v0;
	v5 =	vmul.f32 v5, v11  }
0x1ac: {  	[tilespmem:s0+$0xFFFFFFC0] =	vst v1;
	v1 =	vmul.f32 v2, v4  }
0x1ad: {  	[tilespmem:s0+$0x30] =	vst v5  }
0x1ae: {  	[tilespmem:s0+$0x10] =	vst v1  }
0x1af: {  	[hbm4b:s12+s2] =	stream.linear.scatter [tilespmem:s28], [sflag:$0x4], $0x3200, $0x38;
	[tilespmem:$0x1B380] =	vst v63  }
0x1b0: {  	s1 =	simm.s32 @!p0 $0x8780;
	s0 =	simm.s32 @!p0 $0x0  }
0x1b1: {  	[tilespmem:s1], [sflag:$0x2] =	stream.linear.gather @!p0 [hbm4b:s13+s0], $0x6400, $0x38;
	[tilespmem:$0x1B380] =	vst v63  }
0x1b2: {  	s1 =	simm.s32 @!p0 $0x11D80  }
0x1b3: {  	[tilespmem:s1], [sflag:$0x2] =	stream.linear.gather @!p0 [hbm4b:s14+s0], $0x3200, $0x38;
	[tilespmem:$0x1B380] =	vst v63  }
0x1b4: {  	_ =	swait.ge [sflag:s24], $0x6400  }
0x1b5: {  	[sflag:s24] =	ssyncset.done $0x0  }
0x1b6: {  	[sflag:s24] =	ssyncadd.s32 $0xFFFF9C00  }
0x1b7: {  	_ =	swait.ge [sflag:s24], $0x3200  }
0x1b8: {  	[sflag:s24] =	ssyncset.done $0x0  }
0x1b9: {  	[sflag:s24] =	ssyncadd.s32 $0xFFFFCE00  }
0x1ba: {  	_ =	swait.ge [sflag:s29], $0x3200  }
0x1bb: {  	[sflag:s29] =	ssyncset.done $0x0  }
0x1bc: {  	s21 =	simm.s32 $0x2400;
	[sflag:s29] =	ssyncadd.s32 $0xFFFFCE00  }
0x1bd: {  	v0 =	vld [tilespmem:s21+$0xFFFFFF80]  }
0x1be: {  	v1 =	vld [tilespmem:s21+$0x60]  }
0x1bf: {  	v2 =	vld [tilespmem:s21+$0x40]  }
0x1c0: {  	v3 =	vld [tilespmem:s21+$0x30]  }
0x1c1: {  	v4 =	vld [tilespmem:s21+$0x50]  }
0x1c2: {  	v5 =	vld [tilespmem:s21+$0x10]  }
0x1c3: {  	v6 =	vld [tilespmem:s21+$0x20]  }
0x1c4: {  	v7 =	vld [tilespmem:s21+$0xFFFFFFC0]  }
0x1c5: {  	v8 =	vld [tilespmem:s21+$0xFFFFFF90]  }
0x1c6: {  	v9 =	vld [tilespmem:s21+$0xFFFFFFF0]  }
0x1c7: {  	v10 =	vld [tilespmem:s21+$0xFFFFFFE0]  }
0x1c8: {  	v13 =	vld [tilespmem:s21+$0xFFFFFFD0]  }
0x1c9: {  	v11 =	vld [tilespmem:s21+$0x70]  }
0x1ca: {  	v14 =	vld [tilespmem:s21+$0xFFFFFFB0];
	v7 =	vmul.u32 $0x5E, v7  }
0x1cb: {  	s22 =	simm.s32 $0xEBC0;
	v12 =	vld [tilespmem:s21+$0xFFFFFFA0];
	v8 =	vmul.u32 $0x5E, v8  }
0x1cc: {  	v15 =	vld [tilespmem:s22+$0xFFFFFFF0];
	v2 =	vadd.s32 v2, v7;
	v7 =	vmul.u32 $0x5E, v9  }
0x1cd: {  	v13 =	vmul.u32 $0x5E, v13;
	v9 =	vld [tilespmem:s21+$0x0];
	v5 =	vadd.s32 v5, v8;
	v8 =	vmul.u32 $0x5E, v10  }
0x1ce: {  	v10 =	vld [tilespmem:s22+$0x0];
	v7 =	vadd.s32 v11, v7  }
0x1cf: {  	v4 =	vadd.s32 v4, v13;
	v13 =	vmul.u32 $0x5E, v14;
	v14 =	vld [tilespmem:s22+$0xFFFFFFD0];
	v1 =	vadd.s32 v1, v8  }
0x1d0: {  	v11 =	vld [tilespmem:s22+$0x20]  }
0x1d1: {  	v2 =	vld.idx.msk [tilespmem:v2+s2+$0x0], $0xffff  }
0x1d2: {  	v8 =	vld [tilespmem:s22+$0x30]  }
0x1d3: {  	v7 =	vld.idx.msk [tilespmem:v7+s2+$0x0], $0xffff  }
0x1d4: {  	v0 =	vmul.u32 $0x5E, v0;
	v12 =	vmul.u32 $0x5E, v12;
	v1 =	vld.idx.msk [tilespmem:v1+s2+$0x0], $0xffff  }
0x1d5: {  	v3 =	vadd.s32 v3, v13;
	v5 =	vld.idx.msk [tilespmem:v5+s2+$0x0], $0xffff  }
0x1d6: {  	v6 =	vadd.s32 v6, v12;
	v12 =	vld [tilespmem:s22+$0x10];
	v0 =	vadd.s32 v9, v0;
	v2 =	vmul.f32 v2, v10  }
0x1d7: {  	v13 =	vld [tilespmem:s22+$0xFFFFFFE0]  }
0x1d8: {  	v9 =	vld [tilespmem:s22+$0xFFFFFFC0];
	v2 =	vadd.f32 $1.000000000e+00, v2;
	v7 =	vmul.f32 v7, v8  }
0x1d9: {  	v4 =	vld.idx.msk [tilespmem:v4+s2+$0x0], $0xffff;
	v1 =	vmul.f32 v1, v11  }
0x1da: {  	v3 =	vld.idx.msk [tilespmem:v3+s2+$0x0], $0xffff;
	(erf) = vrcp.f32 v2;
	v2 =	vmul.f32 v5, v14;
	v5 =	vadd.f32 $1.000000000e+00, v7  }
0x1db: {  	v0 =	vld.idx.msk [tilespmem:v0+s2+$0x0], $0xffff  }
0x1dc: {  	v1 =	vadd.f32 $1.000000000e+00, v1;
	(erf) = vrcp.f32 v5;
	v5 =	vld.idx.msk [tilespmem:v6+s2+$0x0], $0xffff  }
0x1dd: {  	v2 =	vadd.f32 $1.000000000e+00, v2  }
0x1de: {  	s23 =	simm.s32 $0x2500;
	(erf) = vrcp.f32 v1  }
0x1df: {  	v16 =	vld [tilespmem:s23+$0x30];
	v1 =	vmul.f32 v4, v12;
	(erf) = vrcp.f32 v2  }
0x1e0: {  	v17 =	vld [tilespmem:s23+$0x10];
	v3 =	vmul.f32 v3, v15  }
0x1e1: {  	v18 =	vld [tilespmem:s23+$0x20];
	v0 =	vmul.f32 v0, v9;
	v1 =	vadd.f32 $1.000000000e+00, v1;
	v5 =	vmul.f32 v5, v13  }
0x1e2: {  	v19 =	vld [tilespmem:s23+$0x70];
	v3 =	vadd.f32 $1.000000000e+00, v3  }
0x1e3: {  	v22 =	vld [tilespmem:s23+$0xFFFFFFD0];
	v0 =	vadd.f32 $1.000000000e+00, v0;
	v5 =	vadd.f32 $1.000000000e+00, v5  }
0x1e4: {  	v23 =	vld [tilespmem:s23+$0xFFFFFFC0];
	(erf) = vrcp.f32 v1  }
0x1e5: {  	v2 =	vld [tilespmem:s23+$0xFFFFFF80];
	(erf) = vrcp.f32 v0;
	v1 =	vpop (erf)  }
0x1e6: {  	v7 =	vld [tilespmem:s23+$0x50];
	(erf) = vrcp.f32 v3;
	v0 =	vmul.f32 v1, v10;
	v3 =	vpop (erf)  }
0x1e7: {  	v50 =	vld [tilespmem:s23+$0x0];
	v20 =	vmul.f32 v1, v1;
	(erf) = vrcp.f32 v5;
	v5 =	vpop (erf)  }
0x1e8: {  	v30 =	vld [tilespmem:s23+$0xFFFFFFF0];
	v0 =	vmul.f32 v0, v0;
	v1 =	vmul.f32 v3, v8;
	v8 =	vpop (erf)  }
0x1e9: {  	v22 =	vmul.u32 $0x5E, v22;
	v6 =	vld [tilespmem:s23+$0x40];
	v14 =	vmul.f32 v8, v14  }
0x1ea: {  	v28 =	vmul.u32 $0x5E, v2;
	v10 =	vld [tilespmem:s23+$0xFFFFFFA0];
	v21 =	vmul.f32 v0, v0;
	v11 =	vmul.f32 v5, v11  }
0x1eb: {  	v22 =	vadd.s32 v7, v22;
	v46 =	vmul.f32 v1, v1;
	v1 =	vmul.f32 v14, v14;
	v14 =	vld [tilespmem:s23+$0xFFFFFF90]  }
0x1ec: {  	v48 =	vld [tilespmem:s23+$0xFFFFFFB0];
	v27 =	vadd.s32 v50, v28;
	v5 =	vmul.f32 v5, v5;
	v8 =	vmul.f32 v8, v8  }
0x1ed: {  	v4 =	vld [tilespmem:s23+$0x60];
	v20 =	vmul.f32 v20, v20;
	v47 =	vsel vm0, v0, v21;
	v0 =	vmul.f32 v3, v3  }
0x1ee: {  	s1 =	simm.s32 $0xEC40;
	v3 =	vpop (erf);
	v31 =	vmul.f32 v5, v5;
	v5 =	vmul.u32 $0x5E, v23;
	v32 =	vmul.f32 v8, v8;
	v8 =	vld [tilespmem:s23+$0xFFFFFFE0]  }
0x1ef: {  	v51 =	vmul.u32 $0x5E, v30;
	v7 =	vld [tilespmem:s1+$0x20];
	v20 =	vmul.f32 v20, v20;
	v33 =	vmul.u32 $0x5E, v10;
	v23 =	vpop (erf)  }
0x1f0: {  	v2 =	vld [tilespmem:s1+$0xFFFFFFC0];
	v34 =	vmul.f32 v23, v9;
	v9 =	vmul.u32 $0x5E, v14;
	v14 =	vadd.s32 v6, v5  }
0x1f1: {  	v26 =	vmul.u32 $0x5E, v48;
	v22 =	vld.idx.msk [tilespmem:v22+s2+$0x0], $0xffff;
	v49 =	vmul.f32 v46, v46;
	v11 =	vmul.f32 v11, v11  }
0x1f2: {  	v10 =	vld [tilespmem:s1+$0x0];
	v21 =	vmul.f32 v47, v21;
	v12 =	vmul.f32 v3, v12;
	v18 =	vadd.s32 v18, v33;
	v35 =	vpop (erf)  }
0x1f3: {  	v27 =	vld.idx.msk [tilespmem:v27+s2+$0x0], $0xffff;
	v52 =	vmul.f32 v11, v11;
	v29 =	vmul.f32 v1, v1;
	v55 =	vpop (erf);
	v53 =	vmul.u32 $0x5E, v8  }
0x1f4: {  	v19 =	vadd.s32 v19, v51;
	v31 =	vmul.f32 v31, v31;
	v57 =	vmul.f32 v55, v13;
	v13 =	vld [tilespmem:s1+$0xFFFFFFD0]  }
0x1f5: {  	v54 =	vmul.f32 v35, v35;
	v1 =	vsel vm0, v1, v29;
	v4 =	vadd.s32 v4, v53;
	v36 =	vld.idx.msk [tilespmem:v14+s2+$0x0], $0xffff  }
0x1f6: {  	v6 =	vmul.f32 v23, v23;
	v23 =	vmul.f32 v1, v29;
	v1 =	vld [tilespmem:s1+$0xFFFFFFE0];
	v17 =	vadd.s32 v17, v9  }
0x1f7: {  	v60 =	vmul.f32 v32, v32;
	v20 =	vmul.f32 v21, v20;
	v11 =	vsel vm0, v11, v52;
	v18 =	vld.idx.msk [tilespmem:v18+s2+$0x0], $0xffff  }
0x1f8: {  	v11 =	vmul.f32 v11, v52;
	v9 =	vld [tilespmem:s1+$0x30];
	v14 =	vmul.f32 v35, v15;
	v15 =	vadd.s32 v16, v26  }
0x1f9: {  	v27 =	vmul.f32 v27, v2;
	v5 =	vmul.f32 v34, v34;
	v16 =	vld.idx.msk [tilespmem:v19+s2+$0x0], $0xffff  }
0x1fa: {  	v58 =	vmul.f32 v57, v57;
	v59 =	vld.idx.msk [tilespmem:v4+s2+$0x0], $0xffff;
	v4 =	vmul.f32 v36, v10  }
0x1fb: {  	v8 =	vmul.f32 v6, v6;
	v19 =	vmul.f32 v55, v55;
	v56 =	vld.idx.msk [tilespmem:v17+s2+$0x0], $0xffff  }
0x1fc: {  	v6 =	vld [tilespmem:s1+$0x10];
	v21 =	vmul.f32 v23, v60;
	v61 =	vmul.f32 v58, v58;
	v62 =	vadd.f32 $1.000000000e+00, v4  }
0x1fd: {  	v18 =	vmul.f32 v18, v1;
	v19 =	vmul.f32 v19, v19;
	v15 =	vld.idx.msk [tilespmem:v15+s2+$0x0], $0xffff  }
0x1fe: {  	s0 =	simm.s32 $0x14FC0;
	v23 =	vsel vm0, v58, v61;
	v16 =	vmul.f32 v16, v9;
	v4 =	vld [tilespmem:s1+$0xFFFFFFF0];
	(erf) = vrcp.f32 v62  }
0x1ff: {  	[tilespmem:s0+$0x0] =	vst v20;
	v20 =	vadd.f32 $1.000000000e+00, v27;
	v23 =	vmul.f32 v23, v61;
	v63 =	vmul.f32 v59, v7  }
0x200: {  	v19 =	vmul.f32 v19, v19;
	v28 =	vmul.f32 v56, v13;
	v16 =	vadd.f32 $1.000000000e+00, v16  }
0x201: {  	v17 =	vmul.f32 v54, v54;
	v22 =	vmul.f32 v22, v6;
	v26 =	vadd.f32 $1.000000000e+00, v63  }
0x202: {  	v28 =	vadd.f32 $1.000000000e+00, v28;
	(erf) = vrcp.f32 v16;
	v16 =	vmul.f32 v23, v19  }
0x203: {  	v19 =	vadd.f32 $1.000000000e+00, v22;
	(erf) = vrcp.f32 v26;
	v22 =	vmul.f32 v15, v4  }
0x204: {  	(erf) = vrcp.f32 v28;
	v15 =	vmul.f32 v12, v12  }
0x205: {  	[tilespmem:s0+$0xFFFFFFD0] =	vst v21;
	(erf) = vrcp.f32 v19;
	v19 =	vmul.f32 v11, v31;
	v12 =	vadd.f32 $1.000000000e+00, v22  }
0x206: {  	v21 =	vsel vm0, v46, v49;
	[tilespmem:s0+$0xFFFFFFE0] =	vst v16;
	(erf) = vrcp.f32 v20;
	v11 =	vmul.f32 v15, v15  }
0x207: {  	s21 =	simm.s32 $0x14FC0;
	s22 =	simm.s32 $0x8;
	s23 =	simm.s32 $0x2600;
	v22 =	vadd.f32 $1.000000000e+00, v18;
	[tilespmem:s0+$0x20] =	vst v19;
	(erf) = vrcp.f32 v12;
	v12 =	vmul.f32 v21, v49;
	v20 =	vpop (erf)  }
.LBB2_6:
0x208: {  	v16 =	vld [tilespmem:s23+$0xFFFFFF80];
	s22 =	sadd.s32 $0x8, s22;
	v10 =	vmul.f32 v20, v10;
	s1 =	sadd.s32 $0x80, s1;
	v19 =	vmul.f32 v17, v17;
	s0 =	sadd.s32 $0x80, s0  }
0x209: {  	v26 =	vmul.f32 v3, v3;
	v21 =	vld [tilespmem:s1+$0xFFFFFFF0];
	p1 =	slt.u32 s22, $0x318;
	(erf) = vrcp.f32 v22  }
0x20a: {  	v22 =	vmul.f32 v14, v14;
	v17 =	vld [tilespmem:s23+$0x60];
	v10 =	vmul.f32 v10, v10  }
0x20b: {  	v23 =	vmul.f32 v20, v20;
	v24 =	vmul.f32 v26, v26;
	v14 =	vld [tilespmem:s23+$0x40];
	v18 =	vpop (erf)  }
0x20c: {  	v26 =	vmul.f32 v8, v8;
	v25 =	vld [tilespmem:s23+$0x30];
	v9 =	vmul.f32 v18, v9;
	v3 =	vpop (erf)  }
0x20d: {  	v8 =	vmul.f32 v10, v10;
	v27 =	vmul.u32 $0x5E, v16;
	v28 =	vld [tilespmem:s23+$0x50];
	v7 =	vmul.f32 v3, v7;
	v16 =	vpop (erf)  }
0x20e: {  	v30 =	vmul.f32 v3, v3;
	v29 =	vld [tilespmem:s23+$0x10];
	v13 =	vmul.f32 v16, v13;
	v3 =	vpop (erf)  }
0x20f: {  	v20 =	vmul.f32 v5, v5;
	v10 =	vsel vm0, v10, v8;
	v9 =	vmul.f32 v9, v9;
	v31 =	vld [tilespmem:s23+$0x20];
	v32 =	vpop (erf)  }
0x210: {  	v34 =	vmul.f32 v18, v18;
	v33 =	vld [tilespmem:s23+$0x70];
	v13 =	vmul.f32 v13, v13;
	v35 =	vpop (erf)  }
0x211: {  	v5 =	vsel vm0, v5, v20;
	v37 =	vmul.f32 v16, v16;
	v38 =	vmul.f32 v10, v8;
	v36 =	vld [tilespmem:s23+$0xFFFFFFA0]  }
0x212: {  	v40 =	vmul.f32 v5, v20;
	v16 =	vmul.f32 v9, v9;
	v8 =	vld [tilespmem:s23+$0xFFFFFFD0];
	v39 =	vpop (erf)  }
0x213: {  	v20 =	vmul.f32 v3, v6;
	v10 =	vmul.f32 v13, v13;
	v5 =	vld [tilespmem:s23+$0xFFFFFFC0]  }
0x214: {  	v24 =	vmul.f32 v24, v24;
	v30 =	vmul.f32 v30, v30;
	v18 =	vsel vm0, v9, v16;
	v6 =	vld [tilespmem:s23+$0xFFFFFF90]  }
0x215: {  	v42 =	vmul.f32 v22, v22;
	v37 =	vmul.f32 v37, v37;
	v9 =	vsel vm0, v13, v10;
	v41 =	vld [tilespmem:s23+$0xFFFFFFB0]  }
0x216: {  	v43 =	vmul.f32 v7, v7;
	v2 =	vmul.f32 v32, v2;
	v13 =	vld [tilespmem:s23+$0x0];
	v36 =	vmul.u32 $0x5E, v36  }
0x217: {  	v15 =	vsel vm0, v15, v11;
	v7 =	vmul.f32 v32, v32;
	v32 =	vmul.f32 v9, v10;
	v44 =	vld [tilespmem:s23+$0xFFFFFFF0]  }
0x218: {  	v45 =	vmul.u32 $0x5E, v8;
	v9 =	vmul.u32 $0x5E, v5;
	v46 =	vld [tilespmem:s23+$0xFFFFFFE0];
	v5 =	vmul.f32 v2, v2  }
0x219: {  	v47 =	vmul.f32 v43, v43;
	v8 =	vmul.f32 v7, v7;
	v2 =	vld [tilespmem:s1+$0xFFFFFFC0];
	v6 =	vmul.u32 $0x5E, v6  }
0x21a: {  	v30 =	vmul.f32 v30, v30;
	v28 =	vadd.s32 v28, v45;
	v10 =	vld [tilespmem:s1+$0x0];
	v14 =	vadd.s32 v14, v9  }
0x21b: {  	v29 =	vadd.s32 v29, v6;
	v7 =	vld [tilespmem:s1+$0x20];
	v6 =	vsel vm0, v43, v47;
	v43 =	vmul.f32 v0, v0;
	v0 =	vmovc v34  }
0x21c: {  	v9 =	vld [tilespmem:s1+$0x30];
	v34 =	vmul.u32 $0x5E, v44;
	v44 =	vmul.f32 v35, v35;
	v45 =	vmul.f32 v6, v47  }
0x21d: {  	v26 =	vmul.f32 v40, v26;
	v41 =	vmul.u32 $0x5E, v41;
	v47 =	vld [tilespmem:s1+$0xFFFFFFE0];
	v46 =	vmul.u32 $0x5E, v46  }
0x21e: {  	v31 =	vadd.s32 v31, v36;
	v6 =	vld [tilespmem:s1+$0x10];
	v33 =	vadd.s32 v33, v34;
	v34 =	vmul.f32 v43, v43  }
0x21f: {  	v23 =	vmul.f32 v23, v23;
	v25 =	vadd.s32 v25, v41;
	v36 =	vld.idx.msk [tilespmem:v14+s2+$0x0], $0xffff;
	v40 =	vadd.s32 v17, v46  }
0x220: {  	v11 =	vmul.f32 v15, v11;
	v27 =	vadd.s32 v13, v27;
	v14 =	vmul.f32 v35, v4;
	v28 =	vld.idx.msk [tilespmem:v28+s2+$0x0], $0xffff  }
0x221: {  	v17 =	vmul.f32 v44, v44;
	v12 =	vmul.f32 v12, v34;
	v15 =	vld.idx.msk [tilespmem:v29+s2+$0x0], $0xffff;
	v29 =	vsel vm0, v22, v42  }
0x222: {  	v4 =	vmovc v21;
	v22 =	vmul.f32 v39, v1;
	v13 =	vld [tilespmem:s1+$0xFFFFFFD0];
	[tilespmem:s21+$0xFFFFFFC0] =	vst v26;
	v26 =	vmul.f32 v29, v42;
	v1 =	vmov v47  }
0x223: {  	v11 =	vmul.f32 v11, v24;
	v29 =	vmul.f32 v39, v39;
	v21 =	vld.idx.msk [tilespmem:v33+s2+$0x0], $0xffff  }
0x224: {  	v22 =	vmul.f32 v22, v22;
	v24 =	vld.idx.msk [tilespmem:v40+s2+$0x0], $0xffff;
	v19 =	vmul.f32 v26, v19;
	[tilespmem:s21+$0x30] =	vst v12  }
0x225: {  	v23 =	vmul.f32 v23, v23;
	v26 =	vmul.f32 v36, v10;
	v12 =	vld.idx.msk [tilespmem:v27+s2+$0x0], $0xffff;
	[tilespmem:s21+$0x10] =	vst v11  }
0x226: {  	v27 =	vmul.f32 v37, v37;
	v11 =	vld.idx.msk [tilespmem:v31+s2+$0x0], $0xffff;
	v31 =	vmul.f32 v22, v22;
	[tilespmem:s21+$0xFFFFFFF0] =	vst v19;
	s21 =	smov.u32 s0  }
0x227: {  	v23 =	vmul.f32 v38, v23;
	v19 =	vadd.f32 $1.000000000e+00, v26;
	v26 =	vmul.f32 v28, v6  }
0x228: {  	v28 =	vmul.f32 v29, v29;
	v27 =	vmul.f32 v32, v27;
	v25 =	vld.idx.msk [tilespmem:v25+s2+$0x0], $0xffff  }
0x229: {  	v21 =	vmul.f32 v21, v9;
	(erf) = vrcp.f32 v19;
	v19 =	vsel vm0, v22, v31;
	[tilespmem:s0+$0x0] =	vst v23  }
0x22a: {  	v23 =	vadd.f32 $1.000000000e+00, v26;
	v22 =	vmul.f32 v24, v7;
	[tilespmem:s0+$0xFFFFFFD0] =	vst v27;
	v19 =	vmul.f32 v19, v31  }
0x22b: {  	v15 =	vmul.f32 v15, v13;
	v24 =	vmul.f32 v28, v28;
	v21 =	vadd.f32 $1.000000000e+00, v21  }
0x22c: {  	v12 =	vmul.f32 v12, v2;
	v11 =	vmul.f32 v11, v1;
	v22 =	vadd.f32 $1.000000000e+00, v22  }
0x22d: {  	v15 =	vadd.f32 $1.000000000e+00, v15;
	v19 =	vmul.f32 v19, v24;
	(erf) = vrcp.f32 v21  }
.Ltmp4:
0x22e: {  	v12 =	vadd.f32 $1.000000000e+00, v12;
	v21 =	vmul.f32 v25, v4;
	(erf) = vrcp.f32 v22;
	(pc) =	sbr.rel @p1 .LBB2_6-.Ltmp4, $4  }
0x22f: {  	v22 =	vadd.f32 $1.000000000e+00, v11;
	(erf) = vrcp.f32 v15;
	[tilespmem:s0+$0xFFFFFFE0] =	vst v19;
	v15 =	vmul.f32 v20, v20  }
0x230: {  	v19 =	vadd.f32 $1.000000000e+00, v21;
	v21 =	vmul.f32 v45, v30;
	(erf) = vrcp.f32 v23  }
0x231: {  	(erf) = vrcp.f32 v12;
	v11 =	vmul.f32 v15, v15  }
0x232: {  	s23 =	sadd.s32 $0x100, s23;
	v12 =	vmul.f32 v18, v16;
	(erf) = vrcp.f32 v19;
	v20 =	vpop (erf);
	[tilespmem:s0+$0x20] =	vst v21  }
0x233: {  	v10 =	vmul.f32 v20, v10;
	v16 =	vmul.f32 v17, v17  }
0x234: {  	(erf) = vrcp.f32 v22;
	v3 =	vmul.f32 v3, v3  }
0x235: {  	v14 =	vmul.f32 v14, v14;
	v36 =	vmul.f32 v20, v20  }
0x236: {  	v8 =	vmul.f32 v8, v8;
	v38 =	vmul.f32 v5, v5;
	v15 =	vsel vm0, v15, v11  }
0x237: {  	v0 =	vmul.f32 v0, v0;
	v11 =	vmul.f32 v15, v11  }
0x238: {  	v10 =	vmul.f32 v10, v10;
	v3 =	vmul.f32 v3, v3  }
0x239: {  	v5 =	vsel vm0, v5, v38;
	v25 =	vmul.f32 v14, v14;
	v0 =	vmul.f32 v0, v0  }
0x23a: {  	v17 =	vmul.f32 v36, v36;
	v18 =	vpop (erf);
	v5 =	vmul.f32 v5, v38  }
0x23b: {  	v9 =	vmul.f32 v18, v9;
	v37 =	vmul.f32 v10, v10  }
0x23c: {  	v18 =	vmul.f32 v18, v18;
	v3 =	vmul.f32 v3, v3  }
0x23d: {  	v19 =	vpop (erf);
	v0 =	vmul.f32 v12, v0;
	v46 =	vmul.f32 v17, v17  }
0x23e: {  	v14 =	vsel vm0, v14, v25;
	v7 =	vmul.f32 v19, v7;
	v19 =	vmul.f32 v19, v19  }
0x23f: {  	v21 =	vpop (erf);
	v5 =	vmul.f32 v5, v8;
	v44 =	vmul.f32 v14, v25  }
0x240: {  	v13 =	vmul.f32 v21, v13;
	v9 =	vmul.f32 v9, v9  }
0x241: {  	v10 =	vsel vm0, v10, v37;
	v21 =	vmul.f32 v21, v21;
	v3 =	vmul.f32 v11, v3  }
0x242: {  	v39 =	vpop (erf);
	v58 =	vmul.f32 v18, v18;
	v10 =	vmul.f32 v10, v37  }
0x243: {  	v6 =	vmul.f32 v39, v6;
	v19 =	vmul.f32 v19, v19  }
0x244: {  	v7 =	vmul.f32 v7, v7;
	v12 =	vmul.f32 v44, v16  }
0x245: {  	v52 =	vmul.f32 v39, v39;
	v13 =	vmul.f32 v13, v13  }
0x246: {  	v24 =	vpop (erf);
	v23 =	vmul.f32 v9, v9;
	v21 =	vmul.f32 v21, v21  }
0x247: {  	v2 =	vmul.f32 v24, v2;
	v24 =	vmul.f32 v24, v24  }
0x248: {  	v26 =	vpop (erf);
	v60 =	vmul.f32 v58, v58;
	v41 =	vmul.f32 v7, v7  }
0x249: {  	v19 =	vmul.f32 v19, v19;
	v27 =	vmul.f32 v26, v26  }
0x24a: {  	v4 =	vmul.f32 v26, v4;
	v10 =	vmul.f32 v10, v46  }
0x24b: {  	v6 =	vmul.f32 v6, v6;
	v56 =	vmul.f32 v52, v52  }
0x24c: {  	v42 =	vpop (erf);
	v40 =	vmul.f32 v13, v13;
	v2 =	vmul.f32 v2, v2  }
0x24d: {  	v24 =	vmul.f32 v24, v24;
	v1 =	vmul.f32 v42, v1  }
0x24e: {  	v8 =	vmul.f32 v42, v42;
	v47 =	vmul.f32 v21, v21  }
0x24f: {  	v49 =	vsel vm0, v9, v23;
	v43 =	vmul.f32 v27, v27;
	v50 =	vmul.f32 v6, v6  }
0x250: {  	v7 =	vsel vm0, v7, v41;
	v51 =	vmul.f32 v49, v23;
	v55 =	vmul.f32 v4, v4  }
0x251: {  	v4 =	vmul.f32 v56, v56;
	v7 =	vmul.f32 v7, v41  }
0x252: {  	v1 =	vmul.f32 v1, v1;
	v8 =	vmul.f32 v8, v8  }
0x253: {  	[tilespmem:s21+$0x30] =	vst v0;
	v13 =	vsel vm0, v13, v40;
	v54 =	vmul.f32 v2, v2;
	v57 =	vmul.f32 v24, v24  }
0x254: {  	[tilespmem:s21+$0xFFFFFFC0] =	vst v5;
	v13 =	vmul.f32 v13, v40;
	v53 =	vmul.f32 v43, v43  }
0x255: {  	[tilespmem:s21+$0x10] =	vst v3;
	v59 =	vmul.f32 v55, v55;
	v5 =	vmul.f32 v51, v60  }
0x256: {  	s0 =	sadd.s32 $0x80, s0;
	[tilespmem:s21+$0xFFFFFFF0] =	vst v12;
	v6 =	vsel vm0, v6, v50;
	v45 =	vmul.f32 v1, v1;
	v8 =	vmul.f32 v8, v8  }
0x257: {  	[tilespmem:s0+$0x0] =	vst v10;
	v7 =	vmul.f32 v7, v19;
	v2 =	vsel vm0, v2, v54;
	v62 =	vmul.f32 v6, v50  }
0x258: {  	v48 =	vmul.f32 v13, v47;
	v2 =	vmul.f32 v2, v54;
	v3 =	vsel vm0, v55, v59;
	[tilespmem:s0+$0x30] =	vst v5  }
0x259: {  	v1 =	vsel vm0, v1, v45;
	[tilespmem:s0+$0x20] =	vst v7;
	v3 =	vmul.f32 v3, v59;
	v63 =	vmul.f32 v62, v4  }
0x25a: {  	v1 =	vmul.f32 v1, v45;
	[tilespmem:s0+$0xFFFFFFD0] =	vst v48;
	v61 =	vmul.f32 v2, v57  }
.Ltmp5:
0x25b: {  	v0 =	vmul.f32 v3, v53;
	[tilespmem:s0+$0x10] =	vst v63;
	(pc) =	sbr.rel @p0 .LBB2_11-.Ltmp5, $4  }
0x25c: {  	v1 =	vmul.f32 v1, v8;
	[tilespmem:s0+$0xFFFFFFC0] =	vst v61  }
0x25d: {  	[tilespmem:s0+$0xFFFFFFF0] =	vst v0  }
0x25e: {  	[tilespmem:s0+$0xFFFFFFE0] =	vst v1;
	s0 =	simm.s32 $0x3  }
0x25f: {  	[hbm4b:s15+s2] =	stream.linear.scatter [tilespmem:s25], [sflag:$0x3], $0x3200, $0x38;
	[tilespmem:$0x1B380] =	vst v63  }
0x260: {  	_ =	swait.ge [sflag:s26], $0x6400  }
0x261: {  	[sflag:s26] =	ssyncset.done $0x0  }
0x262: {  	[sflag:s26] =	ssyncadd.s32 $0xFFFF9C00  }
0x263: {  	_ =	swait.ge [sflag:s26], $0x3200  }
0x264: {  	[sflag:s26] =	ssyncset.done $0x0  }
0x265: {  	[sflag:s26] =	ssyncadd.s32 $0xFFFFCE00  }
0x266: {  	_ =	swait.ge [sflag:s30], $0x3200  }
0x267: {  	[sflag:s30] =	ssyncset.done $0x0  }
0x268: {  	s0 =	simm.s32 $0x8800;
	[sflag:s30] =	ssyncadd.s32 $0xFFFFCE00  }
0x269: {  	v0 =	vld [tilespmem:s0+$0xFFFFFF80]  }
0x26a: {  	v1 =	vld [tilespmem:s0+$0x60]  }
0x26b: {  	v2 =	vld [tilespmem:s0+$0x40]  }
0x26c: {  	v3 =	vld [tilespmem:s0+$0x30]  }
0x26d: {  	v4 =	vld [tilespmem:s0+$0x50]  }
0x26e: {  	v5 =	vld [tilespmem:s0+$0x10]  }
0x26f: {  	v6 =	vld [tilespmem:s0+$0x20]  }
0x270: {  	v7 =	vld [tilespmem:s0+$0xFFFFFFC0]  }
0x271: {  	v8 =	vld [tilespmem:s0+$0xFFFFFF90]  }
0x272: {  	v9 =	vld [tilespmem:s0+$0xFFFFFFF0]  }
0x273: {  	v10 =	vld [tilespmem:s0+$0xFFFFFFE0]  }
0x274: {  	v13 =	vld [tilespmem:s0+$0xFFFFFFD0]  }
0x275: {  	v11 =	vld [tilespmem:s0+$0x70]  }
0x276: {  	v14 =	vld [tilespmem:s0+$0xFFFFFFB0];
	v7 =	vmul.u32 $0x5E, v7  }
0x277: {  	s1 =	simm.s32 $0x11DC0;
	v12 =	vld [tilespmem:s0+$0xFFFFFFA0];
	v8 =	vmul.u32 $0x5E, v8  }
0x278: {  	v15 =	vld [tilespmem:s1+$0xFFFFFFF0];
	v2 =	vadd.s32 v2, v7;
	v7 =	vmul.u32 $0x5E, v9  }
0x279: {  	v13 =	vmul.u32 $0x5E, v13;
	v9 =	vld [tilespmem:s0+$0x0];
	v5 =	vadd.s32 v5, v8;
	v8 =	vmul.u32 $0x5E, v10  }
0x27a: {  	v10 =	vld [tilespmem:s1+$0x0];
	v7 =	vadd.s32 v11, v7  }
0x27b: {  	v4 =	vadd.s32 v4, v13;
	v13 =	vmul.u32 $0x5E, v14;
	v14 =	vld [tilespmem:s1+$0xFFFFFFD0];
	v1 =	vadd.s32 v1, v8  }
0x27c: {  	v11 =	vld [tilespmem:s1+$0x20]  }
0x27d: {  	v2 =	vld.idx.msk [tilespmem:v2+s2+$0x0], $0xffff  }
0x27e: {  	v8 =	vld [tilespmem:s1+$0x30]  }
0x27f: {  	v7 =	vld.idx.msk [tilespmem:v7+s2+$0x0], $0xffff  }
0x280: {  	v0 =	vmul.u32 $0x5E, v0;
	v12 =	vmul.u32 $0x5E, v12;
	v1 =	vld.idx.msk [tilespmem:v1+s2+$0x0], $0xffff  }
0x281: {  	v3 =	vadd.s32 v3, v13;
	v5 =	vld.idx.msk [tilespmem:v5+s2+$0x0], $0xffff  }
0x282: {  	v6 =	vadd.s32 v6, v12;
	v12 =	vld [tilespmem:s1+$0x10];
	v0 =	vadd.s32 v9, v0;
	v2 =	vmul.f32 v2, v10  }
0x283: {  	v13 =	vld [tilespmem:s1+$0xFFFFFFE0]  }
0x284: {  	v9 =	vld [tilespmem:s1+$0xFFFFFFC0];
	v2 =	vadd.f32 $1.000000000e+00, v2;
	v7 =	vmul.f32 v7, v8  }
0x285: {  	v4 =	vld.idx.msk [tilespmem:v4+s2+$0x0], $0xffff;
	v1 =	vmul.f32 v1, v11  }
0x286: {  	v3 =	vld.idx.msk [tilespmem:v3+s2+$0x0], $0xffff;
	(erf) = vrcp.f32 v2;
	v2 =	vmul.f32 v5, v14;
	v5 =	vadd.f32 $1.000000000e+00, v7  }
0x287: {  	v0 =	vld.idx.msk [tilespmem:v0+s2+$0x0], $0xffff  }
0x288: {  	v1 =	vadd.f32 $1.000000000e+00, v1;
	(erf) = vrcp.f32 v5;
	v5 =	vld.idx.msk [tilespmem:v6+s2+$0x0], $0xffff  }
0x289: {  	v2 =	vadd.f32 $1.000000000e+00, v2  }
0x28a: {  	s23 =	simm.s32 $0x8900;
	(erf) = vrcp.f32 v1  }
0x28b: {  	v16 =	vld [tilespmem:s23+$0x30];
	v1 =	vmul.f32 v4, v12;
	(erf) = vrcp.f32 v2  }
0x28c: {  	v17 =	vld [tilespmem:s23+$0x10];
	v3 =	vmul.f32 v3, v15  }
0x28d: {  	v18 =	vld [tilespmem:s23+$0x20];
	v0 =	vmul.f32 v0, v9;
	v1 =	vadd.f32 $1.000000000e+00, v1;
	v5 =	vmul.f32 v5, v13  }
0x28e: {  	v19 =	vld [tilespmem:s23+$0x70];
	v3 =	vadd.f32 $1.000000000e+00, v3  }
0x28f: {  	v22 =	vld [tilespmem:s23+$0xFFFFFFD0];
	v0 =	vadd.f32 $1.000000000e+00, v0;
	v5 =	vadd.f32 $1.000000000e+00, v5  }
0x290: {  	v23 =	vld [tilespmem:s23+$0xFFFFFFC0];
	(erf) = vrcp.f32 v1  }
0x291: {  	v2 =	vld [tilespmem:s23+$0xFFFFFF80];
	(erf) = vrcp.f32 v0;
	v1 =	vpop (erf)  }
0x292: {  	v7 =	vld [tilespmem:s23+$0x50];
	(erf) = vrcp.f32 v3;
	v0 =	vmul.f32 v1, v10;
	v3 =	vpop (erf)  }
0x293: {  	v27 =	vld [tilespmem:s23+$0x0];
	v20 =	vmul.f32 v1, v1;
	(erf) = vrcp.f32 v5;
	v5 =	vpop (erf)  }
0x294: {  	v30 =	vld [tilespmem:s23+$0xFFFFFFF0];
	v0 =	vmul.f32 v0, v0;
	v1 =	vmul.f32 v3, v8;
	v8 =	vpop (erf)  }
0x295: {  	v22 =	vmul.u32 $0x5E, v22;
	v6 =	vld [tilespmem:s23+$0x40];
	v14 =	vmul.f32 v8, v14  }
0x296: {  	v28 =	vmul.u32 $0x5E, v2;
	v10 =	vld [tilespmem:s23+$0xFFFFFFA0];
	v21 =	vmul.f32 v0, v0;
	v11 =	vmul.f32 v5, v11  }
0x297: {  	v22 =	vadd.s32 v7, v22;
	v24 =	vmul.f32 v1, v1;
	v1 =	vmul.f32 v14, v14;
	v14 =	vld [tilespmem:s23+$0xFFFFFF90]  }
0x298: {  	v26 =	vld [tilespmem:s23+$0xFFFFFFB0];
	v27 =	vadd.s32 v27, v28;
	v5 =	vmul.f32 v5, v5;
	v8 =	vmul.f32 v8, v8  }
0x299: {  	v4 =	vld [tilespmem:s23+$0x60];
	v20 =	vmul.f32 v20, v20;
	v25 =	vsel vm0, v0, v21;
	v0 =	vmul.f32 v3, v3  }
0x29a: {  	s1 =	simm.s32 $0x11E40;
	v3 =	vpop (erf);
	v31 =	vmul.f32 v5, v5;
	v5 =	vmul.u32 $0x5E, v23;
	v32 =	vmul.f32 v8, v8;
	v8 =	vld [tilespmem:s23+$0xFFFFFFE0]  }
0x29b: {  	v51 =	vmul.u32 $0x5E, v30;
	v7 =	vld [tilespmem:s1+$0x20];
	v20 =	vmul.f32 v20, v20;
	v33 =	vmul.u32 $0x5E, v10;
	v23 =	vpop (erf)  }
0x29c: {  	v2 =	vld [tilespmem:s1+$0xFFFFFFC0];
	v34 =	vmul.f32 v23, v9;
	v9 =	vmul.u32 $0x5E, v14;
	v14 =	vadd.s32 v6, v5  }
0x29d: {  	v26 =	vmul.u32 $0x5E, v26;
	v22 =	vld.idx.msk [tilespmem:v22+s2+$0x0], $0xffff;
	v50 =	vmul.f32 v24, v24;
	v11 =	vmul.f32 v11, v11  }
0x29e: {  	v10 =	vld [tilespmem:s1+$0x0];
	v21 =	vmul.f32 v25, v21;
	v12 =	vmul.f32 v3, v12;
	v18 =	vadd.s32 v18, v33;
	v35 =	vpop (erf)  }
0x29f: {  	v27 =	vld.idx.msk [tilespmem:v27+s2+$0x0], $0xffff;
	v52 =	vmul.f32 v11, v11;
	v29 =	vmul.f32 v1, v1;
	v55 =	vpop (erf);
	v53 =	vmul.u32 $0x5E, v8  }
0x2a0: {  	v19 =	vadd.s32 v19, v51;
	v31 =	vmul.f32 v31, v31;
	v57 =	vmul.f32 v55, v13;
	v13 =	vld [tilespmem:s1+$0xFFFFFFD0]  }
0x2a1: {  	v54 =	vmul.f32 v35, v35;
	v1 =	vsel vm0, v1, v29;
	v4 =	vadd.s32 v4, v53;
	v36 =	vld.idx.msk [tilespmem:v14+s2+$0x0], $0xffff  }
0x2a2: {  	v6 =	vmul.f32 v23, v23;
	v23 =	vmul.f32 v1, v29;
	v1 =	vld [tilespmem:s1+$0xFFFFFFE0];
	v17 =	vadd.s32 v17, v9  }
0x2a3: {  	v60 =	vmul.f32 v32, v32;
	v20 =	vmul.f32 v21, v20;
	v11 =	vsel vm0, v11, v52;
	v18 =	vld.idx.msk [tilespmem:v18+s2+$0x0], $0xffff  }
0x2a4: {  	v11 =	vmul.f32 v11, v52;
	v9 =	vld [tilespmem:s1+$0x30];
	v14 =	vmul.f32 v35, v15;
	v15 =	vadd.s32 v16, v26  }
0x2a5: {  	v27 =	vmul.f32 v27, v2;
	v5 =	vmul.f32 v34, v34;
	v16 =	vld.idx.msk [tilespmem:v19+s2+$0x0], $0xffff  }
0x2a6: {  	v58 =	vmul.f32 v57, v57;
	v59 =	vld.idx.msk [tilespmem:v4+s2+$0x0], $0xffff;
	v4 =	vmul.f32 v36, v10  }
0x2a7: {  	v8 =	vmul.f32 v6, v6;
	v19 =	vmul.f32 v55, v55;
	v56 =	vld.idx.msk [tilespmem:v17+s2+$0x0], $0xffff  }
0x2a8: {  	v6 =	vld [tilespmem:s1+$0x10];
	v21 =	vmul.f32 v23, v60;
	v61 =	vmul.f32 v58, v58;
	v62 =	vadd.f32 $1.000000000e+00, v4  }
0x2a9: {  	v18 =	vmul.f32 v18, v1;
	v19 =	vmul.f32 v19, v19;
	v15 =	vld.idx.msk [tilespmem:v15+s2+$0x0], $0xffff  }
0x2aa: {  	s0 =	simm.s32 $0x181C0;
	v23 =	vsel vm0, v58, v61;
	v16 =	vmul.f32 v16, v9;
	v4 =	vld [tilespmem:s1+$0xFFFFFFF0];
	(erf) = vrcp.f32 v62  }
0x2ab: {  	[tilespmem:s0+$0x0] =	vst v20;
	v20 =	vadd.f32 $1.000000000e+00, v27;
	v23 =	vmul.f32 v23, v61;
	v63 =	vmul.f32 v59, v7  }
0x2ac: {  	v19 =	vmul.f32 v19, v19;
	v28 =	vmul.f32 v56, v13;
	v16 =	vadd.f32 $1.000000000e+00, v16  }
0x2ad: {  	v17 =	vmul.f32 v54, v54;
	v22 =	vmul.f32 v22, v6;
	v26 =	vadd.f32 $1.000000000e+00, v63  }
0x2ae: {  	v28 =	vadd.f32 $1.000000000e+00, v28;
	(erf) = vrcp.f32 v16;
	v16 =	vmul.f32 v23, v19  }
0x2af: {  	v19 =	vadd.f32 $1.000000000e+00, v22;
	(erf) = vrcp.f32 v26;
	v22 =	vmul.f32 v15, v4  }
0x2b0: {  	(erf) = vrcp.f32 v28;
	v15 =	vmul.f32 v12, v12  }
0x2b1: {  	[tilespmem:s0+$0xFFFFFFD0] =	vst v21;
	(erf) = vrcp.f32 v19;
	v19 =	vmul.f32 v11, v31;
	v12 =	vadd.f32 $1.000000000e+00, v22  }
0x2b2: {  	v21 =	vsel vm0, v24, v50;
	[tilespmem:s0+$0xFFFFFFE0] =	vst v16;
	(erf) = vrcp.f32 v20;
	v11 =	vmul.f32 v15, v15  }
0x2b3: {  	s22 =	simm.s32 $0x8;
	s21 =	simm.s32 $0x181C0;
	s23 =	simm.s32 $0x8A00;
	v22 =	vadd.f32 $1.000000000e+00, v18;
	[tilespmem:s0+$0x20] =	vst v19;
	(erf) = vrcp.f32 v12;
	v12 =	vmul.f32 v21, v50;
	v20 =	vpop (erf)  }
.LBB2_9:
0x2b4: {  	v16 =	vld [tilespmem:s23+$0xFFFFFF80];
	s22 =	sadd.s32 $0x8, s22;
	v10 =	vmul.f32 v20, v10;
	s1 =	sadd.s32 $0x80, s1;
	v19 =	vmul.f32 v17, v17;
	s0 =	sadd.s32 $0x80, s0  }
0x2b5: {  	v26 =	vmul.f32 v3, v3;
	v21 =	vld [tilespmem:s1+$0xFFFFFFF0];
	p1 =	slt.u32 s22, $0x318;
	(erf) = vrcp.f32 v22  }
0x2b6: {  	v22 =	vmul.f32 v14, v14;
	v17 =	vld [tilespmem:s23+$0x60];
	v10 =	vmul.f32 v10, v10  }
0x2b7: {  	v23 =	vmul.f32 v20, v20;
	v24 =	vmul.f32 v26, v26;
	v14 =	vld [tilespmem:s23+$0x40];
	v18 =	vpop (erf)  }
0x2b8: {  	v26 =	vmul.f32 v8, v8;
	v25 =	vld [tilespmem:s23+$0x30];
	v9 =	vmul.f32 v18, v9;
	v3 =	vpop (erf)  }
0x2b9: {  	v8 =	vmul.f32 v10, v10;
	v27 =	vmul.u32 $0x5E, v16;
	v28 =	vld [tilespmem:s23+$0x50];
	v7 =	vmul.f32 v3, v7;
	v16 =	vpop (erf)  }
0x2ba: {  	v30 =	vmul.f32 v3, v3;
	v29 =	vld [tilespmem:s23+$0x10];
	v13 =	vmul.f32 v16, v13;
	v3 =	vpop (erf)  }
0x2bb: {  	v20 =	vmul.f32 v5, v5;
	v10 =	vsel vm0, v10, v8;
	v9 =	vmul.f32 v9, v9;
	v31 =	vld [tilespmem:s23+$0x20];
	v32 =	vpop (erf)  }
0x2bc: {  	v34 =	vmul.f32 v18, v18;
	v33 =	vld [tilespmem:s23+$0x70];
	v13 =	vmul.f32 v13, v13;
	v35 =	vpop (erf)  }
0x2bd: {  	v5 =	vsel vm0, v5, v20;
	v37 =	vmul.f32 v16, v16;
	v38 =	vmul.f32 v10, v8;
	v36 =	vld [tilespmem:s23+$0xFFFFFFA0]  }
0x2be: {  	v40 =	vmul.f32 v5, v20;
	v16 =	vmul.f32 v9, v9;
	v8 =	vld [tilespmem:s23+$0xFFFFFFD0];
	v39 =	vpop (erf)  }
0x2bf: {  	v20 =	vmul.f32 v3, v6;
	v10 =	vmul.f32 v13, v13;
	v5 =	vld [tilespmem:s23+$0xFFFFFFC0]  }
0x2c0: {  	v24 =	vmul.f32 v24, v24;
	v30 =	vmul.f32 v30, v30;
	v18 =	vsel vm0, v9, v16;
	v6 =	vld [tilespmem:s23+$0xFFFFFF90]  }
0x2c1: {  	v42 =	vmul.f32 v22, v22;
	v37 =	vmul.f32 v37, v37;
	v9 =	vsel vm0, v13, v10;
	v41 =	vld [tilespmem:s23+$0xFFFFFFB0]  }
0x2c2: {  	v43 =	vmul.f32 v7, v7;
	v2 =	vmul.f32 v32, v2;
	v13 =	vld [tilespmem:s23+$0x0];
	v36 =	vmul.u32 $0x5E, v36  }
0x2c3: {  	v15 =	vsel vm0, v15, v11;
	v7 =	vmul.f32 v32, v32;
	v32 =	vmul.f32 v9, v10;
	v44 =	vld [tilespmem:s23+$0xFFFFFFF0]  }
0x2c4: {  	v45 =	vmul.u32 $0x5E, v8;
	v9 =	vmul.u32 $0x5E, v5;
	v46 =	vld [tilespmem:s23+$0xFFFFFFE0];
	v5 =	vmul.f32 v2, v2  }
0x2c5: {  	v47 =	vmul.f32 v43, v43;
	v8 =	vmul.f32 v7, v7;
	v2 =	vld [tilespmem:s1+$0xFFFFFFC0];
	v6 =	vmul.u32 $0x5E, v6  }
0x2c6: {  	v30 =	vmul.f32 v30, v30;
	v28 =	vadd.s32 v28, v45;
	v10 =	vld [tilespmem:s1+$0x0];
	v14 =	vadd.s32 v14, v9  }
0x2c7: {  	v29 =	vadd.s32 v29, v6;
	v7 =	vld [tilespmem:s1+$0x20];
	v6 =	vsel vm0, v43, v47;
	v43 =	vmul.f32 v0, v0;
	v0 =	vmovc v34  }
0x2c8: {  	v9 =	vld [tilespmem:s1+$0x30];
	v34 =	vmul.u32 $0x5E, v44;
	v44 =	vmul.f32 v35, v35;
	v45 =	vmul.f32 v6, v47  }
0x2c9: {  	v26 =	vmul.f32 v40, v26;
	v41 =	vmul.u32 $0x5E, v41;
	v47 =	vld [tilespmem:s1+$0xFFFFFFE0];
	v46 =	vmul.u32 $0x5E, v46  }
0x2ca: {  	v31 =	vadd.s32 v31, v36;
	v6 =	vld [tilespmem:s1+$0x10];
	v33 =	vadd.s32 v33, v34;
	v34 =	vmul.f32 v43, v43  }
0x2cb: {  	v23 =	vmul.f32 v23, v23;
	v25 =	vadd.s32 v25, v41;
	v36 =	vld.idx.msk [tilespmem:v14+s2+$0x0], $0xffff;
	v40 =	vadd.s32 v17, v46  }
0x2cc: {  	v11 =	vmul.f32 v15, v11;
	v27 =	vadd.s32 v13, v27;
	v14 =	vmul.f32 v35, v4;
	v28 =	vld.idx.msk [tilespmem:v28+s2+$0x0], $0xffff  }
0x2cd: {  	v17 =	vmul.f32 v44, v44;
	v12 =	vmul.f32 v12, v34;
	v15 =	vld.idx.msk [tilespmem:v29+s2+$0x0], $0xffff;
	v29 =	vsel vm0, v22, v42  }
0x2ce: {  	v4 =	vmovc v21;
	v22 =	vmul.f32 v39, v1;
	v13 =	vld [tilespmem:s1+$0xFFFFFFD0];
	[tilespmem:s21+$0xFFFFFFC0] =	vst v26;
	v26 =	vmul.f32 v29, v42;
	v1 =	vmov v47  }
0x2cf: {  	v11 =	vmul.f32 v11, v24;
	v29 =	vmul.f32 v39, v39;
	v21 =	vld.idx.msk [tilespmem:v33+s2+$0x0], $0xffff  }
0x2d0: {  	v22 =	vmul.f32 v22, v22;
	v24 =	vld.idx.msk [tilespmem:v40+s2+$0x0], $0xffff;
	v19 =	vmul.f32 v26, v19;
	[tilespmem:s21+$0x30] =	vst v12  }
0x2d1: {  	v23 =	vmul.f32 v23, v23;
	v26 =	vmul.f32 v36, v10;
	v12 =	vld.idx.msk [tilespmem:v27+s2+$0x0], $0xffff;
	[tilespmem:s21+$0x10] =	vst v11  }
0x2d2: {  	v27 =	vmul.f32 v37, v37;
	v11 =	vld.idx.msk [tilespmem:v31+s2+$0x0], $0xffff;
	v31 =	vmul.f32 v22, v22;
	[tilespmem:s21+$0xFFFFFFF0] =	vst v19;
	s21 =	smov.u32 s0  }
0x2d3: {  	v23 =	vmul.f32 v38, v23;
	v19 =	vadd.f32 $1.000000000e+00, v26;
	v26 =	vmul.f32 v28, v6  }
0x2d4: {  	v28 =	vmul.f32 v29, v29;
	v27 =	vmul.f32 v32, v27;
	v25 =	vld.idx.msk [tilespmem:v25+s2+$0x0], $0xffff  }
0x2d5: {  	v21 =	vmul.f32 v21, v9;
	(erf) = vrcp.f32 v19;
	v19 =	vsel vm0, v22, v31;
	[tilespmem:s0+$0x0] =	vst v23  }
0x2d6: {  	v23 =	vadd.f32 $1.000000000e+00, v26;
	v22 =	vmul.f32 v24, v7;
	[tilespmem:s0+$0xFFFFFFD0] =	vst v27;
	v19 =	vmul.f32 v19, v31  }
0x2d7: {  	v15 =	vmul.f32 v15, v13;
	v24 =	vmul.f32 v28, v28;
	v21 =	vadd.f32 $1.000000000e+00, v21  }
0x2d8: {  	v12 =	vmul.f32 v12, v2;
	v11 =	vmul.f32 v11, v1;
	v22 =	vadd.f32 $1.000000000e+00, v22  }
0x2d9: {  	v15 =	vadd.f32 $1.000000000e+00, v15;
	v19 =	vmul.f32 v19, v24;
	(erf) = vrcp.f32 v21  }
.Ltmp6:
0x2da: {  	v12 =	vadd.f32 $1.000000000e+00, v12;
	v21 =	vmul.f32 v25, v4;
	(erf) = vrcp.f32 v22;
	(pc) =	sbr.rel @p1 .LBB2_9-.Ltmp6, $4  }
0x2db: {  	v22 =	vadd.f32 $1.000000000e+00, v11;
	(erf) = vrcp.f32 v15;
	[tilespmem:s0+$0xFFFFFFE0] =	vst v19;
	v15 =	vmul.f32 v20, v20  }
0x2dc: {  	v19 =	vadd.f32 $1.000000000e+00, v21;
	v21 =	vmul.f32 v45, v30;
	(erf) = vrcp.f32 v23  }
0x2dd: {  	(erf) = vrcp.f32 v12;
	v11 =	vmul.f32 v15, v15  }
0x2de: {  	s23 =	sadd.s32 $0x100, s23;
	v12 =	vmul.f32 v18, v16;
	(erf) = vrcp.f32 v19;
	v20 =	vpop (erf);
	[tilespmem:s0+$0x20] =	vst v21  }
.Ltmp7:
0x2df: {  	_ = 	snop;
	(pc) =	sbr.rel .LBB2_10-.Ltmp7, $1  }
0x2e0: {  	_ =	sdelay $0x3  }
.LBB2_12:
0x2e1: {  	_ =	sfence.sel $0x180000  }
0x2e2: {  	[bflag:$0x0] =	sbarrier.arrive $0xFFFF  }
0x2e3: {  	_ =	strace $0x90000047  }
0x2e4: {  	s0 =	stileid.u32;
	[bflag:$0x2] =	sbarrier.arrive $0xFFFF  }
0x2e5: {  	p0 =	sne.s32 s0, $0x0;
	s0 =	rddreg [dreg:$0x4]  }
0x2e6: {  	s0 =	sadd.s32 @!p0 $0x100000, s0  }
0x2e7: {  	[sflag:s0] =	ssyncadd.tile.s32 @!p0 $0x1;
	_ =	shalt  }
.Lfunc_end2:
_tile_overlayer_lowered:
.L_overlay_start_2:
0x2e8: {  	(tag) =	ssettag $0x2  }
0x2e9: {  	s0 =	rddreg [dreg:$0x0];
	s2 =	stileid.u32  }
0x2ea: {  	s1 =	rddreg [dreg:$0x1];
	p0 =	sne.s32 s2, $0x0  }
0x2eb: {  	s3 =	rddreg [dreg:$0x2];
	[bflag:$0x3] =	sbarrier.arrive $0xFFFF;
	s2 =	simm.s32 @!p0 $0x1C05  }
0x2ec: {  	[timem:s3], [sflag:s2] =	dma.local @!p0 [hbm:s0], s1  }
0x2ed: {  	s0 =	simm.s32 @!p0 $0x5  }
0x2ee: {  	_ =	swait.ge @!p0 [sflag:s0], s1  }
0x2ef: {  	s1 =	ssub.s32 @!p0 $0x0, s1;
	[sflag:s0] =	ssyncset.done @!p0 $0x0  }
0x2f0: {  	[sflag:s0] =	ssyncadd.s32 @!p0 s1  }
0x2f1: {  	[bflag:$0x3] =	sbarrier.arrive $0xFFFF  }
0x2f2: {  	_ =	shalt  }

</sc_bundles>
